<compile_context>
chip_gen: v7x
topology: tpu7x:2x2x1
jax: 0.10.2.dev20260603
libtpu: 0.0.44.dev20260713+nightly
codegen_flags: <defaults>
</compile_context>

<pallas_src>
import functools

import jax
import jax.numpy as jnp
from jax import lax
from jax.experimental import pallas as pl
from jax.experimental.pallas import tpu as pltpu
from jax.experimental.pallas import tpu_sc as plsc

_UPI = 0.5
_CTPI = 0.5
_NC = 2
_NS = 16


def _sc_it_gather(im_pad, iid_t):
    SB = iid_t.shape[0]
    P = im_pad.shape[1]
    NW = _NC * _NS
    Iw = SB // NW
    IC = 512
    mesh = plsc.VectorSubcoreMesh(
        core_axis_name="c", subcore_axis_name="s",
        num_cores=_NC, num_subcores=_NS)

    @functools.partial(
        pl.kernel,
        out_type=jax.ShapeDtypeStruct((SB, P), jnp.float32),
        mesh=mesh,
        scratch_types=[
            pltpu.VMEM((Iw,), jnp.int32),
            pltpu.VMEM((IC, P), jnp.float32),
            pltpu.SemaphoreType.DMA,
        ],
    )
    def run(imem_hbm, iid_hbm, it_out, iidx_v, itbuf, sem):
        wid = lax.axis_index("s") * _NC + lax.axis_index("c")
        ibase = wid * Iw
        pltpu.sync_copy(iid_hbm.at[pl.ds(ibase, Iw)], iidx_v)
        for c in range(Iw // IC):
            pltpu.async_copy(
                imem_hbm.at[iidx_v.at[pl.ds(c * IC, IC)]], itbuf, sem).wait()
            pltpu.sync_copy(itbuf, it_out.at[pl.ds(ibase + c * IC, IC)])

    return run(im_pad, iid_t)


_CU = 2048


def _colsum_extract_kernel(su_ref, dest_ref, seg_ref, histt_hbm, umemt_hbm,
                           cnt_ref, histg_ref, umemg_ref,
                           bth_ref, btu_ref, hsem, usem):
    N, U = histt_hbm.shape
    CU = _CU
    nblk = (U + CU - 1) // CU
    cnt_ref[...] = jnp.zeros_like(cnt_ref)

    def _drain4(_, __):
        for _j in range(4):
            pltpu.make_async_copy(
                bth_ref.at[pl.ds(0, 1)], histg_ref.at[pl.ds(0, 1)],
                hsem).wait()
            pltpu.make_async_copy(
                btu_ref.at[pl.ds(0, 1)], umemg_ref.at[pl.ds(0, 1)],
                usem).wait()
        return 0

    def inner(idxs, x_ref, ut_ref):
        g = idxs[0]

        @pl.when(g > 0)
        def _drain_prev():
            pk0 = seg_ref[g - 1]
            pk1 = seg_ref[g]
            lax.fori_loop(0, (pk1 - pk0 + 3) // 4, _drain4, 0)

        bt = jnp.transpose(x_ref[...])
        bth_ref[...] = bt
        btu_ref[...] = jnp.transpose(ut_ref[...])

        k0 = seg_ref[g]
        k1 = seg_ref[g + 1]
        nq = (k1 - k0 + 3) // 4

        def issue4(q, _):
            base = k0 + q * 4
            for j in range(4):
                k = jnp.minimum(base + j, k1 - 1)
                u = su_ref[k] - g * CU
                d = dest_ref[k]
                pltpu.make_async_copy(
                    bth_ref.at[pl.ds(u, 1)], histg_ref.at[pl.ds(d, 1)],
                    hsem).start()
                pltpu.make_async_copy(
                    btu_ref.at[pl.ds(u, 1)], umemg_ref.at[pl.ds(d, 1)],
                    usem).start()
            return 0

        lax.fori_loop(0, nq, issue4, 0)

        @pl.when(g < nblk - 1)
        def _full():
            cnt_ref[...] += jnp.sum(bt.reshape(CU // 8, 8, N), axis=0)

        @pl.when(g == nblk - 1)
        def _tail():
            valid = U - g * CU
            rows = lax.broadcasted_iota(jnp.int32, (CU, 1), 0)
            btm = jnp.where(rows < valid, bt, 0.0)
            cnt_ref[...] += jnp.sum(btm.reshape(CU // 8, 8, N), axis=0)
            lax.fori_loop(0, nq, _drain4, 0)

    pltpu.emit_pipeline(
        inner,
        grid=(nblk,),
        in_specs=[
            pl.BlockSpec((N, CU), lambda g: (0, g)),
            pl.BlockSpec((umemt_hbm.shape[0], CU), lambda g: (0, g)),
        ],
        _explicit_indices=True,
    )(histt_hbm, umemt_hbm)


def _colsum_extract(hist_t, umem_t, su, dest, seg, Bsz):
    N, U = hist_t.shape
    E = umem_t.shape[0]
    grid_spec = pltpu.PrefetchScalarGridSpec(
        num_scalar_prefetch=3,
        grid=(1,),
        in_specs=[
            pl.BlockSpec(memory_space=pl.ANY),
            pl.BlockSpec(memory_space=pl.ANY),
        ],
        out_specs=[
            pl.BlockSpec((8, N), lambda i, su, dest, seg: (0, 0)),
            pl.BlockSpec(memory_space=pl.ANY),
            pl.BlockSpec(memory_space=pl.ANY),
        ],
        scratch_shapes=[
            pltpu.VMEM((_CU, N), jnp.float32),
            pltpu.VMEM((_CU, E), jnp.float32),
            pltpu.SemaphoreType.DMA,
            pltpu.SemaphoreType.DMA,
        ],
    )
    return pl.pallas_call(
        _colsum_extract_kernel,
        grid_spec=grid_spec,
        out_shape=[
            jax.ShapeDtypeStruct((8, N), jnp.float32),
            jax.ShapeDtypeStruct((Bsz, N), jnp.float32),
            jax.ShapeDtypeStruct((Bsz, E), jnp.float32),
        ],
        compiler_params=pltpu.CompilerParams(
            vmem_limit_bytes=100 * 1024 * 1024,
        ),
    )(su, dest, seg, hist_t, umem_t)


def _sig(x):
    return jax.nn.sigmoid(x)


def _gru_mix(gi, gh, h, E):
    r = _sig(gi[:, :E] + gh[:, :E])
    z = _sig(gi[:, E:2 * E] + gh[:, E:2 * E])
    n = jnp.tanh(gi[:, 2 * E:] + r * gh[:, 2 * E:])
    return (1.0 - z) * n + z * h


def _dense_body(u_ref, it_ref, h_ref, len_ref, cnt_ref, im_ref,
                wi_ref, wh_ref, b_ref, wo_ref,
                pred_ref, nu_ref, nit_ref):
    S, Bb, P = it_ref.shape
    E = u_ref.shape[1]
    f32 = jnp.float32
    u = u_ref[...]
    lens = jnp.maximum(len_ref[...], 1.0)
    it2 = it_ref[...].reshape(S * Bb, P)[:, :E]
    wi = wi_ref[...]
    wh = wh_ref[...]
    bb = b_ref[...]

    agg = jnp.zeros((Bb, E), f32)
    for s in range(S):
        m = (lens > float(s)).astype(f32)
        agg = agg + it2[s * Bb:(s + 1) * Bb] * m
    agg = agg / lens

    gi_u = (jnp.dot(u, wi[:E], preferred_element_type=f32)
            + jnp.dot(agg, wi[E:], preferred_element_type=f32) + bb)
    gh_u = jnp.dot(u, wh, preferred_element_type=f32)
    new_u = _gru_mix(gi_u, gh_u, u, E)
    nu_ref[...] = new_u

    p_t = jnp.transpose(jnp.dot(new_u, wo_ref[...],
                                preferred_element_type=f32))
    sc_t = jnp.dot(im_ref[...].astype(jnp.bfloat16),
                   p_t.astype(jnp.bfloat16),
                   preferred_element_type=f32)
    cnt = jnp.sum(cnt_ref[...], axis=0, keepdims=True)
    gp_t = jnp.transpose(cnt / (jnp.sum(cnt) + 1e-8))
    hist = h_ref[...]
    rs_t = jnp.transpose(jnp.sum(hist, axis=1, keepdims=True))
    up_t = jnp.transpose(hist) / (rs_t + 1e-8)
    pred_ref[...] = ((1.0 - _CTPI) * _sig(sc_t)
                     + _CTPI * (_UPI * up_t + (1.0 - _UPI) * gp_t))

    bf16 = jnp.bfloat16
    it2b = it2.astype(bf16)
    u_bot = jnp.dot(u, wi[E:], preferred_element_type=f32) + bb
    gi_it = (jnp.dot(it2b, wi[:E].astype(bf16), preferred_element_type=f32)
             + jnp.concatenate([u_bot] * S, axis=0))
    gh_it = jnp.dot(it2b, wh.astype(bf16), preferred_element_type=f32)
    nit2 = _gru_mix(gi_it, gh_it, it2, E)
    lens_t = jnp.concatenate([lens] * S, axis=0)
    srow = lax.broadcasted_iota(jnp.int32, (S * Bb, 1), 0) // Bb
    m2 = (srow.astype(f32) < lens_t).astype(f32)
    nit2 = nit2 * m2 + it2 * (1.0 - m2)
    for s in range(S):
        nit_ref[s] = jnp.transpose(nit2[s * Bb:(s + 1) * Bb])


def _dense(umem_g, it_sb, hist_g, lens_f, counts, im_t, W_i, W_h, b2, W_out):
    Bsz, E = umem_g.shape
    S, _, P = it_sb.shape
    N = hist_g.shape[1]
    Bb = 256
    G = Bsz // Bb
    return pl.pallas_call(
        _dense_body,
        grid=(G,),
        in_specs=[
            pl.BlockSpec((Bb, E), lambda i: (i, 0)),
            pl.BlockSpec((S, Bb, P), lambda i: (0, i, 0)),
            pl.BlockSpec((Bb, N), lambda i: (i, 0)),
            pl.BlockSpec((Bb, 1), lambda i: (i, 0)),
            pl.BlockSpec((8, N), lambda i: (0, 0)),
            pl.BlockSpec((N, E), lambda i: (0, 0)),
            pl.BlockSpec((2 * E, 3 * E), lambda i: (0, 0)),
            pl.BlockSpec((E, 3 * E), lambda i: (0, 0)),
            pl.BlockSpec((1, 3 * E), lambda i: (0, 0)),
            pl.BlockSpec((E, E), lambda i: (0, 0)),
        ],
        out_specs=[
            pl.BlockSpec((N, Bb), lambda i: (0, i)),
            pl.BlockSpec((Bb, E), lambda i: (i, 0)),
            pl.BlockSpec((S, E, Bb), lambda i: (0, 0, i)),
        ],
        out_shape=[
            jax.ShapeDtypeStruct((N, Bsz), jnp.float32),
            jax.ShapeDtypeStruct((Bsz, E), jnp.float32),
            jax.ShapeDtypeStruct((S, E, Bsz), jnp.float32),
        ],
    )(umem_g, it_sb, hist_g, lens_f, counts, im_t, W_i, W_h, b2, W_out)


def kernel(batch_length, batch_user_id, batch_items_id, users_history_items,
           users_memory, items_memory, W_i, W_h, b, W_out):
    Bsz, S = batch_items_id.shape
    E = users_memory.shape[1]
    uid = batch_user_id.astype(jnp.int32)
    iid_t = batch_items_id.T.reshape(-1).astype(jnp.int32)
    lens_f = batch_length.astype(jnp.float32).reshape(Bsz, 1)
    im_pad = jnp.pad(items_memory, ((0, 0), (0, 128 - E)))
    it_flat = _sc_it_gather(im_pad, iid_t)
    skey = jnp.sort(uid * Bsz + jnp.arange(Bsz, dtype=jnp.int32))
    su = (skey // Bsz).astype(jnp.int32)
    dest = (skey % Bsz).astype(jnp.int32)
    U = users_history_items.shape[0]
    nblk = (U + _CU - 1) // _CU
    bounds = jnp.arange(nblk + 1, dtype=jnp.int32) * _CU
    seg = jnp.sum(su[None, :] < bounds[:, None], axis=1).astype(jnp.int32)
    counts, hist_g, umem_g = _colsum_extract(
        users_history_items.T, users_memory.T, su, dest, seg, Bsz)
    it_sb = it_flat.reshape(S, Bsz, 128)
    pred_t, new_u, nit_seb = _dense(
        umem_g, it_sb, hist_g, lens_f, counts, items_memory,
        W_i, W_h, b.reshape(1, -1), W_out)
    pred = pred_t.T
    new_it = jnp.transpose(nit_seb, (2, 0, 1))
    return (pred, new_u, new_it)

# --- scband reference (transcript-rebuilt; emitter-appended) ---
"""Pipeline reference for scband-cttsp-89507118449344 (READ-ONLY COPY).

The authoritative reference and input builder live on the scoring server;
editing this copy changes nothing except your own understanding.
"""

import jax, jax.numpy as jnp
import numpy as np

NUM_USERS = 100000
NUM_ITEMS = 1000
E = 64
B = 4096
S = 20
UPI = 0.5
CTPI = 0.5


def _gru(msg, h, W_i, W_h, b):
    gi = jnp.dot(msg, W_i) + b
    gh = jnp.dot(h, W_h)
    i_r, i_z, i_n = jnp.split(gi, 3, axis=-1)
    h_r, h_z, h_n = jnp.split(gh, 3, axis=-1)
    r = jax.nn.sigmoid(i_r + h_r)
    z = jax.nn.sigmoid(i_z + h_z)
    n = jnp.tanh(i_n + r * h_n)
    return (1.0 - z) * n + z * h


def setup_inputs(seed: int = 0):
    key = jax.random.key(seed)
    ks = jax.random.split(key, 10)
    return {
        "batch_length": jax.random.randint(ks[0], (B,), 1, S + 1),
        "batch_user_id": jax.random.randint(ks[1], (B,), 0, NUM_USERS),
        "batch_items_id": jax.random.randint(ks[2], (B, S), 0, NUM_ITEMS),
        "users_history_items": jax.random.uniform(ks[3], (NUM_USERS, NUM_ITEMS), dtype=jnp.float32),
        "users_memory": jax.random.normal(ks[4], (NUM_USERS, E), dtype=jnp.float32) * 0.1,
        "items_memory": jax.random.normal(ks[5], (NUM_ITEMS, E), dtype=jnp.float32) * 0.1,
        "W_i": jax.random.normal(ks[6], (2 * E, 3 * E), dtype=jnp.float32) * 0.05,
        "W_h": jax.random.normal(ks[7], (E, 3 * E), dtype=jnp.float32) * 0.05,
        "b": jnp.zeros((3 * E,), dtype=jnp.float32),
        "W_out": jax.random.normal(ks[8], (E, E), dtype=jnp.float32) * 0.05,
    }


def reference(batch_length, batch_user_id, batch_items_id, users_history_items, users_memory, items_memory, W_i, W_h, b, W_out):
    # PersonalizedProbabilityCalculator: per-user history prob mixed with global prob
    user_hist = jnp.take(users_history_items, batch_user_id, axis=0)  # (B, NUM_ITEMS) large gather
    user_prob = user_hist / (jnp.sum(user_hist, axis=-1, keepdims=True) + 1e-8)
    global_counts = jnp.sum(users_history_items, axis=0)
    global_prob = global_counts / (jnp.sum(global_counts) + 1e-8)
    pers_prob = UPI * user_prob + (1.0 - UPI) * global_prob[None, :]
    # MessageEncoder: gather memories, masked-mean aggregate set items
    u_mem = jnp.take(users_memory, batch_user_id, axis=0)  # (B, E)
    it_mem = jnp.take(items_memory, batch_items_id.reshape(-1), axis=0).reshape(B, S, E)
    mask = (jnp.arange(S)[None, :] < batch_length[:, None]).astype(jnp.float32)  # (B, S)
    items_agg = jnp.sum(it_mem * mask[:, :, None], axis=1) / jnp.maximum(batch_length, 1).astype(jnp.float32)[:, None]
    user_msg = jnp.concatenate([u_mem, items_agg], axis=-1)  # (B, 2E)
    items_msg = jnp.concatenate([it_mem, jnp.broadcast_to(u_mem[:, None, :], (B, S, E))], axis=-1)  # (B, S, 2E)
    # MemoryUpdater: GRU cell (message_dim = 2E -> hidden E)
    new_u_mem = _gru(user_msg, u_mem, W_i, W_h, b)
    new_it_mem = _gru(items_msg.reshape(B * S, 2 * E), it_mem.reshape(B * S, E), W_i, W_h, b).reshape(B, S, E)
    new_it_mem = new_it_mem * mask[:, :, None] + it_mem * (1.0 - mask[:, :, None])
    # PredictionLayer: score vs item memory table, mix with personalized probability
    scores = jnp.dot(jnp.dot(new_u_mem, W_out), items_memory.T)  # (B, NUM_ITEMS)
    batch_set_predict = (1.0 - CTPI) * jax.nn.sigmoid(scores) + CTPI * pers_prob
    return (batch_set_predict, new_u_mem, new_it_mem)

if __name__ == "__main__":
    import jax
    _d = setup_inputs()
    print(jax.jit(kernel)(*tuple(_d.values())))

</pallas_src>

<mosaic_0001>
#map = affine_map<(d0, d1) -> (0, 0)>
#map1 = affine_map<(d0, d1) -> (0)>
module attributes {stable_mosaic.version = 14 : i64} {
  func.func @run(%arg0: i32, %arg1: i32, %arg2: memref<1000x128xf32, #tpu.memory_space<hbm>>, %arg3: memref<81920xi32, #tpu.memory_space<hbm>>, %arg4: memref<81920x128xf32, #tpu.memory_space<hbm>>, %arg5: memref<2560xi32, #tpu.memory_space<vmem>>, %arg6: memref<512x128xf32, #tpu.memory_space<vmem>>, %arg7: memref<!tpu.dma_semaphore, #tpu.memory_space<semaphore_mem>>) attributes {dimension_semantics = [#tpu.dimension_semantics<core_parallel>, #tpu.dimension_semantics<subcore_parallel>], iteration_bounds = array<i64: 2, 16>, scalar_prefetch = 0 : i64, scratch_operands = 3 : i64, tpu.core_type = #tpu.core_type<sc_vector_subcore>, window_params = [{transform_indices = #map}, {transform_indices = #map1}, {transform_indices = #map}]} {
    %mul3A = arith.constant 2 : i32
    %mul3A_0 = arith.muli %arg1, %mul3A : i32
    %add3A = arith.addi %mul3A_0, %arg0 : i32
    %mul3A_1 = arith.constant 2560 : i32
    %mul3A_2 = arith.muli %add3A, %mul3A_1 : i32
    "tpu.region"() ({
      %run_scoped3A = tpu.sem_alloc : memref<!tpu.dma_semaphore, #tpu.memory_space<semaphore_mem>>
      %dma_start3A_61 = tpu.memref_slice %arg3[%mul3A_2] : memref<81920xi32, #tpu.memory_space<hbm>> -> memref<2560xi32, #tpu.memory_space<hbm>>
      %dma_start3A_62 = tpu.memref_slice %arg3[%mul3A_2] : memref<81920xi32, #tpu.memory_space<hbm>> -> memref<2560xi32, #tpu.memory_space<hbm>>
      tpu.enqueue_dma source(%dma_start3A_62 : memref<2560xi32, #tpu.memory_space<hbm>>) target(%arg5 : memref<2560xi32, #tpu.memory_space<vmem>>) target_semaphore(%run_scoped3A : memref<!tpu.dma_semaphore, #tpu.memory_space<semaphore_mem>>)
      %dma_wait3A_63 = tpu.memref_slice %arg3[%mul3A_2] : memref<81920xi32, #tpu.memory_space<hbm>> -> memref<2560xi32, #tpu.memory_space<hbm>>
      %dma_wait3A_64 = tpu.memref_slice %arg3[%mul3A_2] : memref<81920xi32, #tpu.memory_space<hbm>> -> memref<2560xi32, #tpu.memory_space<hbm>>
      tpu.wait_dma2 semaphore(%run_scoped3A : memref<!tpu.dma_semaphore, #tpu.memory_space<semaphore_mem>>) src(%dma_wait3A_64 : memref<2560xi32, #tpu.memory_space<hbm>>) dst(%arg5 : memref<2560xi32, #tpu.memory_space<vmem>>)
      tpu.yield
    }) : () -> ()
    %dma_start3A = arith.constant 0 : i32
    %dma_start3A_3 = tpu.memref_slice %arg5[%dma_start3A] : memref<2560xi32, #tpu.memory_space<vmem>> -> memref<512xi32, #tpu.memory_space<vmem>>
    %dma_start3A_4 = arith.constant 0 : i32
    %dma_start3A_5 = arith.constant 0 : i32
    %dma_start3A_6 = tpu.memref_slice %arg2[%dma_start3A_4, %dma_start3A_5] : memref<1000x128xf32, #tpu.memory_space<hbm>> -> memref<1000x128xf32, #tpu.memory_space<hbm>>
    tpu.enqueue_indirect_dma source(%dma_start3A_6 : memref<1000x128xf32, #tpu.memory_space<hbm>>) target(%arg6 : memref<512x128xf32, #tpu.memory_space<vmem>>) offsets(%dma_start3A_3 : memref<512xi32, #tpu.memory_space<vmem>>) semaphore(%arg7 : memref<!tpu.dma_semaphore, #tpu.memory_space<semaphore_mem>>)
    %dma_wait3A = arith.constant 0 : i32
    %dma_wait3A_7 = tpu.memref_slice %arg5[%dma_wait3A] : memref<2560xi32, #tpu.memory_space<vmem>> -> memref<512xi32, #tpu.memory_space<vmem>>
    %dma_wait3A_8 = arith.constant 0 : i32
    %dma_wait3A_9 = arith.constant 0 : i32
    %dma_wait3A_10 = tpu.memref_slice %arg2[%dma_wait3A_8, %dma_wait3A_9] : memref<1000x128xf32, #tpu.memory_space<hbm>> -> memref<1000x128xf32, #tpu.memory_space<hbm>>
    tpu.wait_indirect_dma semaphore(%arg7 : memref<!tpu.dma_semaphore, #tpu.memory_space<semaphore_mem>>) src(%dma_wait3A_10 : memref<1000x128xf32, #tpu.memory_space<hbm>>) dst(%arg6 : memref<512x128xf32, #tpu.memory_space<vmem>>)
    %add3A_11 = arith.constant 0 : i32
    %add3A_12 = arith.addi %mul3A_2, %add3A_11 : i32
    "tpu.region"() ({
      %run_scoped3A = tpu.sem_alloc : memref<!tpu.dma_semaphore, #tpu.memory_space<semaphore_mem>>
      %dma_start3A_61 = arith.constant 0 : i32
      %dma_start3A_62 = tpu.memref_slice %arg4[%add3A_12, %dma_start3A_61] : memref<81920x128xf32, #tpu.memory_space<hbm>> -> memref<512x128xf32, #tpu.memory_space<hbm>>
      %dma_start3A_63 = arith.constant 0 : i32
      %dma_start3A_64 = tpu.memref_slice %arg4[%add3A_12, %dma_start3A_63] : memref<81920x128xf32, #tpu.memory_space<hbm>> -> memref<512x128xf32, #tpu.memory_space<hbm>>
      tpu.enqueue_dma source(%arg6 : memref<512x128xf32, #tpu.memory_space<vmem>>) target(%dma_start3A_64 : memref<512x128xf32, #tpu.memory_space<hbm>>) target_semaphore(%run_scoped3A : memref<!tpu.dma_semaphore, #tpu.memory_space<semaphore_mem>>)
      %dma_wait3A_65 = arith.constant 0 : i32
      %dma_wait3A_66 = tpu.memref_slice %arg4[%add3A_12, %dma_wait3A_65] : memref<81920x128xf32, #tpu.memory_space<hbm>> -> memref<512x128xf32, #tpu.memory_space<hbm>>
      %dma_wait3A_67 = arith.constant 0 : i32
      %dma_wait3A_68 = tpu.memref_slice %arg4[%add3A_12, %dma_wait3A_67] : memref<81920x128xf32, #tpu.memory_space<hbm>> -> memref<512x128xf32, #tpu.memory_space<hbm>>
      tpu.wait_dma2 semaphore(%run_scoped3A : memref<!tpu.dma_semaphore, #tpu.memory_space<semaphore_mem>>) src(%arg6 : memref<512x128xf32, #tpu.memory_space<vmem>>) dst(%dma_wait3A_68 : memref<512x128xf32, #tpu.memory_space<hbm>>)
      tpu.yield
    }) : () -> ()
    %dma_start3A_13 = arith.constant 512 : i32
    %dma_start3A_14 = tpu.memref_slice %arg5[%dma_start3A_13] : memref<2560xi32, #tpu.memory_space<vmem>> -> memref<512xi32, #tpu.memory_space<vmem>>
    %dma_start3A_15 = arith.constant 0 : i32
    %dma_start3A_16 = arith.constant 0 : i32
    %dma_start3A_17 = tpu.memref_slice %arg2[%dma_start3A_15, %dma_start3A_16] : memref<1000x128xf32, #tpu.memory_space<hbm>> -> memref<1000x128xf32, #tpu.memory_space<hbm>>
    tpu.enqueue_indirect_dma source(%dma_start3A_17 : memref<1000x128xf32, #tpu.memory_space<hbm>>) target(%arg6 : memref<512x128xf32, #tpu.memory_space<vmem>>) offsets(%dma_start3A_14 : memref<512xi32, #tpu.memory_space<vmem>>) semaphore(%arg7 : memref<!tpu.dma_semaphore, #tpu.memory_space<semaphore_mem>>)
    %dma_wait3A_18 = arith.constant 512 : i32
    %dma_wait3A_19 = tpu.memref_slice %arg5[%dma_wait3A_18] : memref<2560xi32, #tpu.memory_space<vmem>> -> memref<512xi32, #tpu.memory_space<vmem>>
    %dma_wait3A_20 = arith.constant 0 : i32
    %dma_wait3A_21 = arith.constant 0 : i32
    %dma_wait3A_22 = tpu.memref_slice %arg2[%dma_wait3A_20, %dma_wait3A_21] : memref<1000x128xf32, #tpu.memory_space<hbm>> -> memref<1000x128xf32, #tpu.memory_space<hbm>>
    tpu.wait_indirect_dma semaphore(%arg7 : memref<!tpu.dma_semaphore, #tpu.memory_space<semaphore_mem>>) src(%dma_wait3A_22 : memref<1000x128xf32, #tpu.memory_space<hbm>>) dst(%arg6 : memref<512x128xf32, #tpu.memory_space<vmem>>)
    %add3A_23 = arith.constant 512 : i32
    %add3A_24 = arith.addi %mul3A_2, %add3A_23 : i32
    "tpu.region"() ({
      %run_scoped3A = tpu.sem_alloc : memref<!tpu.dma_semaphore, #tpu.memory_space<semaphore_mem>>
      %dma_start3A_61 = arith.constant 0 : i32
      %dma_start3A_62 = tpu.memref_slice %arg4[%add3A_24, %dma_start3A_61] : memref<81920x128xf32, #tpu.memory_space<hbm>> -> memref<512x128xf32, #tpu.memory_space<hbm>>
      %dma_start3A_63 = arith.constant 0 : i32
      %dma_start3A_64 = tpu.memref_slice %arg4[%add3A_24, %dma_start3A_63] : memref<81920x128xf32, #tpu.memory_space<hbm>> -> memref<512x128xf32, #tpu.memory_space<hbm>>
      tpu.enqueue_dma source(%arg6 : memref<512x128xf32, #tpu.memory_space<vmem>>) target(%dma_start3A_64 : memref<512x128xf32, #tpu.memory_space<hbm>>) target_semaphore(%run_scoped3A : memref<!tpu.dma_semaphore, #tpu.memory_space<semaphore_mem>>)
      %dma_wait3A_65 = arith.constant 0 : i32
      %dma_wait3A_66 = tpu.memref_slice %arg4[%add3A_24, %dma_wait3A_65] : memref<81920x128xf32, #tpu.memory_space<hbm>> -> memref<512x128xf32, #tpu.memory_space<hbm>>
      %dma_wait3A_67 = arith.constant 0 : i32
      %dma_wait3A_68 = tpu.memref_slice %arg4[%add3A_24, %dma_wait3A_67] : memref<81920x128xf32, #tpu.memory_space<hbm>> -> memref<512x128xf32, #tpu.memory_space<hbm>>
      tpu.wait_dma2 semaphore(%run_scoped3A : memref<!tpu.dma_semaphore, #tpu.memory_space<semaphore_mem>>) src(%arg6 : memref<512x128xf32, #tpu.memory_space<vmem>>) dst(%dma_wait3A_68 : memref<512x128xf32, #tpu.memory_space<hbm>>)
      tpu.yield
    }) : () -> ()
    %dma_start3A_25 = arith.constant 1024 : i32
    %dma_start3A_26 = tpu.memref_slice %arg5[%dma_start3A_25] : memref<2560xi32, #tpu.memory_space<vmem>> -> memref<512xi32, #tpu.memory_space<vmem>>
    %dma_start3A_27 = arith.constant 0 : i32
    %dma_start3A_28 = arith.constant 0 : i32
    %dma_start3A_29 = tpu.memref_slice %arg2[%dma_start3A_27, %dma_start3A_28] : memref<1000x128xf32, #tpu.memory_space<hbm>> -> memref<1000x128xf32, #tpu.memory_space<hbm>>
    tpu.enqueue_indirect_dma source(%dma_start3A_29 : memref<1000x128xf32, #tpu.memory_space<hbm>>) target(%arg6 : memref<512x128xf32, #tpu.memory_space<vmem>>) offsets(%dma_start3A_26 : memref<512xi32, #tpu.memory_space<vmem>>) semaphore(%arg7 : memref<!tpu.dma_semaphore, #tpu.memory_space<semaphore_mem>>)
    %dma_wait3A_30 = arith.constant 1024 : i32
    %dma_wait3A_31 = tpu.memref_slice %arg5[%dma_wait3A_30] : memref<2560xi32, #tpu.memory_space<vmem>> -> memref<512xi32, #tpu.memory_space<vmem>>
    %dma_wait3A_32 = arith.constant 0 : i32
    %dma_wait3A_33 = arith.constant 0 : i32
    %dma_wait3A_34 = tpu.memref_slice %arg2[%dma_wait3A_32, %dma_wait3A_33] : memref<1000x128xf32, #tpu.memory_space<hbm>> -> memref<1000x128xf32, #tpu.memory_space<hbm>>
    tpu.wait_indirect_dma semaphore(%arg7 : memref<!tpu.dma_semaphore, #tpu.memory_space<semaphore_mem>>) src(%dma_wait3A_34 : memref<1000x128xf32, #tpu.memory_space<hbm>>) dst(%arg6 : memref<512x128xf32, #tpu.memory_space<vmem>>)
    %add3A_35 = arith.constant 1024 : i32
    %add3A_36 = arith.addi %mul3A_2, %add3A_35 : i32
    "tpu.region"() ({
      %run_scoped3A = tpu.sem_alloc : memref<!tpu.dma_semaphore, #tpu.memory_space<semaphore_mem>>
      %dma_start3A_61 = arith.constant 0 : i32
      %dma_start3A_62 = tpu.memref_slice %arg4[%add3A_36, %dma_start3A_61] : memref<81920x128xf32, #tpu.memory_space<hbm>> -> memref<512x128xf32, #tpu.memory_space<hbm>>
      %dma_start3A_63 = arith.constant 0 : i32
      %dma_start3A_64 = tpu.memref_slice %arg4[%add3A_36, %dma_start3A_63] : memref<81920x128xf32, #tpu.memory_space<hbm>> -> memref<512x128xf32, #tpu.memory_space<hbm>>
      tpu.enqueue_dma source(%arg6 : memref<512x128xf32, #tpu.memory_space<vmem>>) target(%dma_start3A_64 : memref<512x128xf32, #tpu.memory_space<hbm>>) target_semaphore(%run_scoped3A : memref<!tpu.dma_semaphore, #tpu.memory_space<semaphore_mem>>)
      %dma_wait3A_65 = arith.constant 0 : i32
      %dma_wait3A_66 = tpu.memref_slice %arg4[%add3A_36, %dma_wait3A_65] : memref<81920x128xf32, #tpu.memory_space<hbm>> -> memref<512x128xf32, #tpu.memory_space<hbm>>
      %dma_wait3A_67 = arith.constant 0 : i32
      %dma_wait3A_68 = tpu.memref_slice %arg4[%add3A_36, %dma_wait3A_67] : memref<81920x128xf32, #tpu.memory_space<hbm>> -> memref<512x128xf32, #tpu.memory_space<hbm>>
      tpu.wait_dma2 semaphore(%run_scoped3A : memref<!tpu.dma_semaphore, #tpu.memory_space<semaphore_mem>>) src(%arg6 : memref<512x128xf32, #tpu.memory_space<vmem>>) dst(%dma_wait3A_68 : memref<512x128xf32, #tpu.memory_space<hbm>>)
      tpu.yield
    }) : () -> ()
    %dma_start3A_37 = arith.constant 1536 : i32
    %dma_start3A_38 = tpu.memref_slice %arg5[%dma_start3A_37] : memref<2560xi32, #tpu.memory_space<vmem>> -> memref<512xi32, #tpu.memory_space<vmem>>
    %dma_start3A_39 = arith.constant 0 : i32
    %dma_start3A_40 = arith.constant 0 : i32
    %dma_start3A_41 = tpu.memref_slice %arg2[%dma_start3A_39, %dma_start3A_40] : memref<1000x128xf32, #tpu.memory_space<hbm>> -> memref<1000x128xf32, #tpu.memory_space<hbm>>
    tpu.enqueue_indirect_dma source(%dma_start3A_41 : memref<1000x128xf32, #tpu.memory_space<hbm>>) target(%arg6 : memref<512x128xf32, #tpu.memory_space<vmem>>) offsets(%dma_start3A_38 : memref<512xi32, #tpu.memory_space<vmem>>) semaphore(%arg7 : memref<!tpu.dma_semaphore, #tpu.memory_space<semaphore_mem>>)
    %dma_wait3A_42 = arith.constant 1536 : i32
    %dma_wait3A_43 = tpu.memref_slice %arg5[%dma_wait3A_42] : memref<2560xi32, #tpu.memory_space<vmem>> -> memref<512xi32, #tpu.memory_space<vmem>>
    %dma_wait3A_44 = arith.constant 0 : i32
    %dma_wait3A_45 = arith.constant 0 : i32
    %dma_wait3A_46 = tpu.memref_slice %arg2[%dma_wait3A_44, %dma_wait3A_45] : memref<1000x128xf32, #tpu.memory_space<hbm>> -> memref<1000x128xf32, #tpu.memory_space<hbm>>
    tpu.wait_indirect_dma semaphore(%arg7 : memref<!tpu.dma_semaphore, #tpu.memory_space<semaphore_mem>>) src(%dma_wait3A_46 : memref<1000x128xf32, #tpu.memory_space<hbm>>) dst(%arg6 : memref<512x128xf32, #tpu.memory_space<vmem>>)
    %add3A_47 = arith.constant 1536 : i32
    %add3A_48 = arith.addi %mul3A_2, %add3A_47 : i32
    "tpu.region"() ({
      %run_scoped3A = tpu.sem_alloc : memref<!tpu.dma_semaphore, #tpu.memory_space<semaphore_mem>>
      %dma_start3A_61 = arith.constant 0 : i32
      %dma_start3A_62 = tpu.memref_slice %arg4[%add3A_48, %dma_start3A_61] : memref<81920x128xf32, #tpu.memory_space<hbm>> -> memref<512x128xf32, #tpu.memory_space<hbm>>
      %dma_start3A_63 = arith.constant 0 : i32
      %dma_start3A_64 = tpu.memref_slice %arg4[%add3A_48, %dma_start3A_63] : memref<81920x128xf32, #tpu.memory_space<hbm>> -> memref<512x128xf32, #tpu.memory_space<hbm>>
      tpu.enqueue_dma source(%arg6 : memref<512x128xf32, #tpu.memory_space<vmem>>) target(%dma_start3A_64 : memref<512x128xf32, #tpu.memory_space<hbm>>) target_semaphore(%run_scoped3A : memref<!tpu.dma_semaphore, #tpu.memory_space<semaphore_mem>>)
      %dma_wait3A_65 = arith.constant 0 : i32
      %dma_wait3A_66 = tpu.memref_slice %arg4[%add3A_48, %dma_wait3A_65] : memref<81920x128xf32, #tpu.memory_space<hbm>> -> memref<512x128xf32, #tpu.memory_space<hbm>>
      %dma_wait3A_67 = arith.constant 0 : i32
      %dma_wait3A_68 = tpu.memref_slice %arg4[%add3A_48, %dma_wait3A_67] : memref<81920x128xf32, #tpu.memory_space<hbm>> -> memref<512x128xf32, #tpu.memory_space<hbm>>
      tpu.wait_dma2 semaphore(%run_scoped3A : memref<!tpu.dma_semaphore, #tpu.memory_space<semaphore_mem>>) src(%arg6 : memref<512x128xf32, #tpu.memory_space<vmem>>) dst(%dma_wait3A_68 : memref<512x128xf32, #tpu.memory_space<hbm>>)
      tpu.yield
    }) : () -> ()
    %dma_start3A_49 = arith.constant 2048 : i32
    %dma_start3A_50 = tpu.memref_slice %arg5[%dma_start3A_49] : memref<2560xi32, #tpu.memory_space<vmem>> -> memref<512xi32, #tpu.memory_space<vmem>>
    %dma_start3A_51 = arith.constant 0 : i32
    %dma_start3A_52 = arith.constant 0 : i32
    %dma_start3A_53 = tpu.memref_slice %arg2[%dma_start3A_51, %dma_start3A_52] : memref<1000x128xf32, #tpu.memory_space<hbm>> -> memref<1000x128xf32, #tpu.memory_space<hbm>>
    tpu.enqueue_indirect_dma source(%dma_start3A_53 : memref<1000x128xf32, #tpu.memory_space<hbm>>) target(%arg6 : memref<512x128xf32, #tpu.memory_space<vmem>>) offsets(%dma_start3A_50 : memref<512xi32, #tpu.memory_space<vmem>>) semaphore(%arg7 : memref<!tpu.dma_semaphore, #tpu.memory_space<semaphore_mem>>)
    %dma_wait3A_54 = arith.constant 2048 : i32
    %dma_wait3A_55 = tpu.memref_slice %arg5[%dma_wait3A_54] : memref<2560xi32, #tpu.memory_space<vmem>> -> memref<512xi32, #tpu.memory_space<vmem>>
    %dma_wait3A_56 = arith.constant 0 : i32
    %dma_wait3A_57 = arith.constant 0 : i32
    %dma_wait3A_58 = tpu.memref_slice %arg2[%dma_wait3A_56, %dma_wait3A_57] : memref<1000x128xf32, #tpu.memory_space<hbm>> -> memref<1000x128xf32, #tpu.memory_space<hbm>>
    tpu.wait_indirect_dma semaphore(%arg7 : memref<!tpu.dma_semaphore, #tpu.memory_space<semaphore_mem>>) src(%dma_wait3A_58 : memref<1000x128xf32, #tpu.memory_space<hbm>>) dst(%arg6 : memref<512x128xf32, #tpu.memory_space<vmem>>)
    %add3A_59 = arith.constant 2048 : i32
    %add3A_60 = arith.addi %mul3A_2, %add3A_59 : i32
    "tpu.region"() ({
      %run_scoped3A = tpu.sem_alloc : memref<!tpu.dma_semaphore, #tpu.memory_space<semaphore_mem>>
      %dma_start3A_61 = arith.constant 0 : i32
      %dma_start3A_62 = tpu.memref_slice %arg4[%add3A_60, %dma_start3A_61] : memref<81920x128xf32, #tpu.memory_space<hbm>> -> memref<512x128xf32, #tpu.memory_space<hbm>>
      %dma_start3A_63 = arith.constant 0 : i32
      %dma_start3A_64 = tpu.memref_slice %arg4[%add3A_60, %dma_start3A_63] : memref<81920x128xf32, #tpu.memory_space<hbm>> -> memref<512x128xf32, #tpu.memory_space<hbm>>
      tpu.enqueue_dma source(%arg6 : memref<512x128xf32, #tpu.memory_space<vmem>>) target(%dma_start3A_64 : memref<512x128xf32, #tpu.memory_space<hbm>>) target_semaphore(%run_scoped3A : memref<!tpu.dma_semaphore, #tpu.memory_space<semaphore_mem>>)
      %dma_wait3A_65 = arith.constant 0 : i32
      %dma_wait3A_66 = tpu.memref_slice %arg4[%add3A_60, %dma_wait3A_65] : memref<81920x128xf32, #tpu.memory_space<hbm>> -> memref<512x128xf32, #tpu.memory_space<hbm>>
      %dma_wait3A_67 = arith.constant 0 : i32
      %dma_wait3A_68 = tpu.memref_slice %arg4[%add3A_60, %dma_wait3A_67] : memref<81920x128xf32, #tpu.memory_space<hbm>> -> memref<512x128xf32, #tpu.memory_space<hbm>>
      tpu.wait_dma2 semaphore(%run_scoped3A : memref<!tpu.dma_semaphore, #tpu.memory_space<semaphore_mem>>) src(%arg6 : memref<512x128xf32, #tpu.memory_space<vmem>>) dst(%dma_wait3A_68 : memref<512x128xf32, #tpu.memory_space<hbm>>)
      tpu.yield
    }) : () -> ()
    return
  }
}

module attributes {stable_mosaic.version = 14 : i64} {
  func.func @_colsum_extract_kernel(%arg0: i32, %arg1: memref<4096xi32, #tpu.memory_space<smem>>, %arg2: memref<4096xi32, #tpu.memory_space<smem>>, %arg3: memref<50xi32, #tpu.memory_space<smem>>, %arg4: memref<1000x100000xf32, #tpu.memory_space<any>>, %arg5: memref<64x100000xf32, #tpu.memory_space<any>>, %arg6: memref<8x1000xf32, #tpu.memory_space<vmem>>, %arg7: memref<4096x1000xf32, #tpu.memory_space<any>>, %arg8: memref<4096x64xf32, #tpu.memory_space<any>>, %arg9: memref<2048x1000xf32, #tpu.memory_space<vmem>>, %arg10: memref<2048x64xf32, #tpu.memory_space<vmem>>, %arg11: memref<!tpu.dma_semaphore, #tpu.memory_space<semaphore_mem>>, %arg12: memref<!tpu.dma_semaphore, #tpu.memory_space<semaphore_mem>>) attributes {dimension_semantics = [#tpu.dimension_semantics<arbitrary>], iteration_bounds = array<i64: 1>, scalar_prefetch = 3 : i64, scratch_operands = 4 : i64, tpu.core_type = #tpu.core_type<tc>, window_params = [{}, {}, {pipeline_mode = #tpu.pipeline_mode<synchronous>, transform_indices = @transform_2, window_bounds = array<i64: 8, 1000>}, {}, {}]} {
    %broadcast_in_dim3A = arith.constant 0.000000e+00 : f32
    %broadcast_in_dim3A_0 = vector.broadcast %broadcast_in_dim3A : f32 to vector<8x1000xf32>
    %swap3A = arith.constant 0 : index
    %swap3A_1 = arith.constant 0 : index
    %swap3A_2 = vector.load %arg6[%swap3A, %swap3A_1] : memref<8x1000xf32, #tpu.memory_space<vmem>>, vector<8x1000xf32>
    tpu.vector_store %arg6[%swap3A, %swap3A_1], %broadcast_in_dim3A_0 {strides = array<i32>} : memref<8x1000xf32, #tpu.memory_space<vmem>>, vector<8x1000xf32>,
    "tpu.region"() ({
      %run_scoped3A = memref.alloca() : memref<2x1000x2048xf32, #tpu.memory_space<vmem>>
      %run_scoped3A_3 = tpu.sem_alloc : memref<2x!tpu.dma_semaphore, #tpu.memory_space<semaphore_mem>>
      %run_scoped3A_4 = memref.alloca() : memref<2x64x2048xf32, #tpu.memory_space<vmem>>
      %run_scoped3A_5 = tpu.sem_alloc : memref<2x!tpu.dma_semaphore, #tpu.memory_space<semaphore_mem>>
      %select_n3A = arith.constant true
      %select_n3A_6 = arith.constant 0 : i32
      %select_n3A_7 = arith.constant -1 : i32
      %select_n3A_8 = arith.select %select_n3A, %select_n3A_7, %select_n3A_6 : i32
      %eq3A = arith.constant -1 : i32
      %eq3A_9 = arith.cmpi eq, %select_n3A_8, %eq3A : i32
      %select_n3A_10 = arith.constant 48 : i32
      %select_n3A_11 = arith.select %eq3A_9, %select_n3A_10, %select_n3A_8 : i32
      %add3A = arith.constant 0 : i32
      %add3A_12 = arith.addi %select_n3A_11, %add3A : i32
      %select_n3A_13 = arith.constant true
      %select_n3A_14 = arith.constant 0 : i32
      %select_n3A_15 = arith.constant 1 : i32
      %select_n3A_16 = arith.select %select_n3A_13, %select_n3A_15, %select_n3A_14 : i32
      %eq3A_17 = arith.constant 49 : i32
      %eq3A_18 = arith.cmpi eq, %select_n3A_16, %eq3A_17 : i32
      %select_n3A_19 = arith.constant 0 : i32
      %select_n3A_20 = arith.select %eq3A_18, %select_n3A_19, %select_n3A_16 : i32
      %add3A_21 = arith.constant 0 : i32
      %add3A_22 = arith.addi %select_n3A_20, %add3A_21 : i32
      %add3A_23 = arith.constant 1 : i32
      %add3A_24 = arith.addi %select_n3A_20, %add3A_23 : i32
      %select_n3A_25 = arith.constant true
      %select_n3A_26 = arith.select %select_n3A_25, %add3A_24, %select_n3A_20 : i32
      %eq3A_27 = arith.constant 49 : i32
      %eq3A_28 = arith.cmpi eq, %select_n3A_26, %eq3A_27 : i32
      %select_n3A_29 = arith.constant 0 : i32
      %select_n3A_30 = arith.select %eq3A_28, %select_n3A_29, %select_n3A_26 : i32
      %add3A_31 = arith.constant 0 : i32
      %add3A_32 = arith.addi %select_n3A_30, %add3A_31 : i32
      "tpu.trace_start"() <{level = 10 : i32, message = "ep_initialize_0"}> : () -> ()
      %rem3A = arith.constant 0 : i32
      %rem3A_33 = arith.constant 2 : i32
      %rem3A_34 = arith.remui %rem3A, %rem3A_33 : i32
      %jit3A = arith.constant false
      %jit3A_35 = arith.constant 1792 : i32
      %jit3A_36 = arith.constant 2048 : i32
      %select_n3A_37 = arith.select %jit3A, %jit3A_35, %jit3A_36 : i32
      %multiple_of3A = tpu.assume_multiple %select_n3A_37, 128 : i32
      %dma_start3A = tpu.memref_slice %run_scoped3A_3[%rem3A_34] : memref<2x!tpu.dma_semaphore, #tpu.memory_space<semaphore_mem>> -> memref<1x!tpu.dma_semaphore, #tpu.memory_space<semaphore_mem>>
      %dma_start3A_38 = tpu.memref_squeeze %dma_start3A : memref<1x!tpu.dma_semaphore, #tpu.memory_space<semaphore_mem>> -> memref<!tpu.dma_semaphore, #tpu.memory_space<semaphore_mem>>
      %dma_start3A_39 = arith.constant 0 : i32
      %dma_start3A_40 = arith.constant 0 : i32
      %dma_start3A_41 = tpu.memref_slice %run_scoped3A[%rem3A_34, %dma_start3A_39, %dma_start3A_40] <%multiple_of3A> : memref<2x1000x2048xf32, #tpu.memory_space<vmem>> -> memref<1x1000x?xf32, #tpu.memory_space<vmem>>
      %dma_start3A_42 = tpu.memref_squeeze %dma_start3A_41 : memref<1x1000x?xf32, #tpu.memory_space<vmem>> -> memref<1000x?xf32, #tpu.memory_space<vmem>>
      %dma_start3A_43 = arith.constant 0 : i32
      %dma_start3A_44 = arith.constant 0 : i32
      %dma_start3A_45 = tpu.memref_slice %arg4[%dma_start3A_43, %dma_start3A_44] <%multiple_of3A> : memref<1000x100000xf32, #tpu.memory_space<any>> -> memref<1000x?xf32, #tpu.memory_space<any>>
      tpu.enqueue_dma source(%dma_start3A_45 : memref<1000x?xf32, #tpu.memory_space<any>>) target(%dma_start3A_42 : memref<1000x?xf32, #tpu.memory_space<vmem>>) target_semaphore(%dma_start3A_38 : memref<!tpu.dma_semaphore, #tpu.memory_space<semaphore_mem>>)
      %add3A_46 = arith.constant 0 : i32
      %add3A_47 = arith.constant 1 : i32
      %add3A_48 = arith.addi %add3A_46, %add3A_47 : i32
      %select_n3A_49 = arith.constant true
      %select_n3A_50 = arith.constant 0 : i32
      %select_n3A_51 = arith.select %select_n3A_49, %add3A_48, %select_n3A_50 : i32
      %rem3A_52 = arith.constant 0 : i32
      %rem3A_53 = arith.constant 2 : i32
      %rem3A_54 = arith.remui %rem3A_52, %rem3A_53 : i32
      %jit3A_55 = arith.constant false
      %jit3A_56 = arith.constant 1792 : i32
      %jit3A_57 = arith.constant 2048 : i32
      %select_n3A_58 = arith.select %jit3A_55, %jit3A_56, %jit3A_57 : i32
      %multiple_of3A_59 = tpu.assume_multiple %select_n3A_58, 128 : i32
      %dma_start3A_60 = tpu.memref_slice %run_scoped3A_5[%rem3A_54] : memref<2x!tpu.dma_semaphore, #tpu.memory_space<semaphore_mem>> -> memref<1x!tpu.dma_semaphore, #tpu.memory_space<semaphore_mem>>
      %dma_start3A_61 = tpu.memref_squeeze %dma_start3A_60 : memref<1x!tpu.dma_semaphore, #tpu.memory_space<semaphore_mem>> -> memref<!tpu.dma_semaphore, #tpu.memory_space<semaphore_mem>>
      %dma_start3A_62 = arith.constant 0 : i32
      %dma_start3A_63 = arith.constant 0 : i32
      %dma_start3A_64 = tpu.memref_slice %run_scoped3A_4[%rem3A_54, %dma_start3A_62, %dma_start3A_63] <%multiple_of3A_59> : memref<2x64x2048xf32, #tpu.memory_space<vmem>> -> memref<1x64x?xf32, #tpu.memory_space<vmem>>
      %dma_start3A_65 = tpu.memref_squeeze %dma_start3A_64 : memref<1x64x?xf32, #tpu.memory_space<vmem>> -> memref<64x?xf32, #tpu.memory_space<vmem>>
      %dma_start3A_66 = arith.constant 0 : i32
      %dma_start3A_67 = arith.constant 0 : i32
      %dma_start3A_68 = tpu.memref_slice %arg5[%dma_start3A_66, %dma_start3A_67] <%multiple_of3A_59> : memref<64x100000xf32, #tpu.memory_space<any>> -> memref<64x?xf32, #tpu.memory_space<any>>
      tpu.enqueue_dma source(%dma_start3A_68 : memref<64x?xf32, #tpu.memory_space<any>>) target(%dma_start3A_65 : memref<64x?xf32, #tpu.memory_space<vmem>>) target_semaphore(%dma_start3A_61 : memref<!tpu.dma_semaphore, #tpu.memory_space<semaphore_mem>>)
      %add3A_69 = arith.constant 0 : i32
      %add3A_70 = arith.constant 1 : i32
      %add3A_71 = arith.addi %add3A_69, %add3A_70 : i32
      %select_n3A_72 = arith.constant true
      %select_n3A_73 = arith.constant 0 : i32
      %select_n3A_74 = arith.select %select_n3A_72, %add3A_71, %select_n3A_73 : i32
      "tpu.trace_stop"() : () -> ()
      %scan3A = arith.constant 0 : i32
      %scan3A_75 = arith.constant 0 : i32
      %scan3A_76 = arith.constant 0 : i32
      %scan3A_77 = arith.constant 0 : i32
      %scan3A_78 = arith.constant 49 : i32
      %scan3A_79 = arith.addi %scan3A_77, %scan3A_78 : i32
      %scan3A_80 = arith.constant 1 : i32
      %scan3A_81:5 = scf.for %scan3A_122 = %scan3A_77 to %scan3A_79 step %scan3A_80 iter_args(%scan3A_123 = %select_n3A_51, %scan3A_124 = %scan3A, %scan3A_125 = %select_n3A_74, %scan3A_126 = %scan3A_75, %scan3A_127 = %scan3A_76) -> (i32, i32, i32, i32, i32)  : i32 {
        %eq3A_128 = arith.constant 0 : i32
        %eq3A_129 = arith.cmpi eq, %scan3A_122, %eq3A_128 : i32
        %eq3A_130 = arith.constant 48 : i32
        %eq3A_131 = arith.cmpi eq, %scan3A_122, %eq3A_130 : i32
        %add3A_132 = arith.constant 0 : i32
        %add3A_133 = arith.addi %scan3A_127, %add3A_132 : i32
        %sub3A_134 = arith.constant 1 : i32
        %sub3A_135 = arith.subi %scan3A_127, %sub3A_134 : i32
        %select_n3A_136 = arith.constant true
        %select_n3A_137 = arith.select %select_n3A_136, %sub3A_135, %scan3A_127 : i32
        %eq3A_138 = arith.constant -1 : i32
        %eq3A_139 = arith.cmpi eq, %select_n3A_137, %eq3A_138 : i32
        %select_n3A_140 = arith.constant 48 : i32
        %select_n3A_141 = arith.select %eq3A_139, %select_n3A_140, %select_n3A_137 : i32
        %add3A_142 = arith.constant 0 : i32
        %add3A_143 = arith.addi %select_n3A_141, %add3A_142 : i32
        %add3A_144 = arith.constant 1 : i32
        %add3A_145 = arith.addi %scan3A_127, %add3A_144 : i32
        %select_n3A_146 = arith.constant true
        %select_n3A_147 = arith.select %select_n3A_146, %add3A_145, %scan3A_127 : i32
        %eq3A_148 = arith.constant 49 : i32
        %eq3A_149 = arith.cmpi eq, %select_n3A_147, %eq3A_148 : i32
        %select_n3A_150 = arith.constant 0 : i32
        %select_n3A_151 = arith.select %eq3A_149, %select_n3A_150, %select_n3A_147 : i32
        %add3A_152 = arith.constant 0 : i32
        %add3A_153 = arith.addi %select_n3A_151, %add3A_152 : i32
        %add3A_154 = arith.constant 1 : i32
        %add3A_155 = arith.addi %select_n3A_151, %add3A_154 : i32
        %select_n3A_156 = arith.constant true
        %select_n3A_157 = arith.select %select_n3A_156, %add3A_155, %select_n3A_151 : i32
        %eq3A_158 = arith.constant 49 : i32
        %eq3A_159 = arith.cmpi eq, %select_n3A_157, %eq3A_158 : i32
        %select_n3A_160 = arith.constant 0 : i32
        %select_n3A_161 = arith.select %eq3A_159, %select_n3A_160, %select_n3A_157 : i32
        %add3A_162 = arith.constant 0 : i32
        %add3A_163 = arith.addi %select_n3A_161, %add3A_162 : i32
        %ne3A = arith.cmpi ne, %add3A_133, %add3A_153 : i32
        %or3A = arith.constant false
        %or3A_164 = arith.ori %or3A, %ne3A : i1
        %ge3A = arith.constant 48 : i32
        %ge3A_165 = arith.cmpi sge, %scan3A_122, %ge3A : i32
        %not3A = arith.constant true
        %not3A_166 = arith.xori %ge3A_165, %not3A : i1
        %and3A = arith.andi %or3A_164, %not3A_166 : i1
        %convert_element_type3A = arith.extui %and3A : i1 to i32
        %cond3A = arith.constant 0 : i32
        %cond3A_167 = arith.cmpi ne, %convert_element_type3A, %cond3A : i32
        scf.if %cond3A_167 {
          "tpu.trace_start"() <{level = 10 : i32, message = "ep_copy_in"}> : () -> ()
          %rem3A_340 = arith.constant 2 : i32
          %rem3A_341 = arith.remui %scan3A_123, %rem3A_340 : i32
          %mul3A = arith.constant 2048 : i32
          %mul3A_342 = arith.muli %mul3A, %add3A_153 : i32
          %eq3A_343 = arith.constant 48 : i32
          %eq3A_344 = arith.cmpi eq, %add3A_153, %eq3A_343 : i32
          %jit3A_345 = arith.constant 1792 : i32
          %jit3A_346 = arith.constant 2048 : i32
          %select_n3A_347 = arith.select %eq3A_344, %jit3A_345, %jit3A_346 : i32
          %multiple_of3A_348 = tpu.assume_multiple %select_n3A_347, 128 : i32
          %mul3A_349 = arith.constant 2048 : i32
          %mul3A_350 = arith.muli %add3A_153, %mul3A_349 : i32
          %dma_start3A_351 = tpu.memref_slice %run_scoped3A_3[%rem3A_341] : memref<2x!tpu.dma_semaphore, #tpu.memory_space<semaphore_mem>> -> memref<1x!tpu.dma_semaphore, #tpu.memory_space<semaphore_mem>>
          %dma_start3A_352 = tpu.memref_squeeze %dma_start3A_351 : memref<1x!tpu.dma_semaphore, #tpu.memory_space<semaphore_mem>> -> memref<!tpu.dma_semaphore, #tpu.memory_space<semaphore_mem>>
          %dma_start3A_353 = arith.constant 0 : i32
          %dma_start3A_354 = arith.constant 0 : i32
          %dma_start3A_355 = tpu.memref_slice %run_scoped3A[%rem3A_341, %dma_start3A_353, %dma_start3A_354] <%multiple_of3A_348> : memref<2x1000x2048xf32, #tpu.memory_space<vmem>> -> memref<1x1000x?xf32, #tpu.memory_space<vmem>>
          %dma_start3A_356 = tpu.memref_squeeze %dma_start3A_355 : memref<1x1000x?xf32, #tpu.memory_space<vmem>> -> memref<1000x?xf32, #tpu.memory_space<vmem>>
          %dma_start3A_357 = arith.constant 0 : i32
          %dma_start3A_358 = tpu.memref_slice %arg4[%dma_start3A_357, %mul3A_350] <%multiple_of3A_348> : memref<1000x100000xf32, #tpu.memory_space<any>> -> memref<1000x?xf32, #tpu.memory_space<any>>
          tpu.enqueue_dma source(%dma_start3A_358 : memref<1000x?xf32, #tpu.memory_space<any>>) target(%dma_start3A_356 : memref<1000x?xf32, #tpu.memory_space<vmem>>) target_semaphore(%dma_start3A_352 : memref<!tpu.dma_semaphore, #tpu.memory_space<semaphore_mem>>)
          "tpu.trace_stop"() : () -> ()
        } else {
        }
        %and3A_168 = arith.constant true
        %and3A_169 = arith.andi %and3A, %and3A_168 : i1
        %add3A_170 = arith.constant 1 : i32
        %add3A_171 = arith.addi %scan3A_123, %add3A_170 : i32
        %select_n3A_172 = arith.select %and3A_169, %add3A_171, %scan3A_123 : i32
        %ne3A_173 = arith.cmpi ne, %add3A_133, %add3A_153 : i32
        %or3A_174 = arith.constant false
        %or3A_175 = arith.ori %or3A_174, %ne3A_173 : i1
        %ge3A_176 = arith.constant 48 : i32
        %ge3A_177 = arith.cmpi sge, %scan3A_122, %ge3A_176 : i32
        %not3A_178 = arith.constant true
        %not3A_179 = arith.xori %ge3A_177, %not3A_178 : i1
        %and3A_180 = arith.andi %or3A_175, %not3A_179 : i1
        %convert_element_type3A_181 = arith.extui %and3A_180 : i1 to i32
        %cond3A_182 = arith.constant 0 : i32
        %cond3A_183 = arith.cmpi ne, %convert_element_type3A_181, %cond3A_182 : i32
        scf.if %cond3A_183 {
          "tpu.trace_start"() <{level = 10 : i32, message = "ep_copy_in"}> : () -> ()
          %rem3A_340 = arith.constant 2 : i32
          %rem3A_341 = arith.remui %scan3A_125, %rem3A_340 : i32
          %mul3A = arith.constant 2048 : i32
          %mul3A_342 = arith.muli %mul3A, %add3A_153 : i32
          %eq3A_343 = arith.constant 48 : i32
          %eq3A_344 = arith.cmpi eq, %add3A_153, %eq3A_343 : i32
          %jit3A_345 = arith.constant 1792 : i32
          %jit3A_346 = arith.constant 2048 : i32
          %select_n3A_347 = arith.select %eq3A_344, %jit3A_345, %jit3A_346 : i32
          %multiple_of3A_348 = tpu.assume_multiple %select_n3A_347, 128 : i32
          %mul3A_349 = arith.constant 2048 : i32
          %mul3A_350 = arith.muli %add3A_153, %mul3A_349 : i32
          %dma_start3A_351 = tpu.memref_slice %run_scoped3A_5[%rem3A_341] : memref<2x!tpu.dma_semaphore, #tpu.memory_space<semaphore_mem>> -> memref<1x!tpu.dma_semaphore, #tpu.memory_space<semaphore_mem>>
          %dma_start3A_352 = tpu.memref_squeeze %dma_start3A_351 : memref<1x!tpu.dma_semaphore, #tpu.memory_space<semaphore_mem>> -> memref<!tpu.dma_semaphore, #tpu.memory_space<semaphore_mem>>
          %dma_start3A_353 = arith.constant 0 : i32
          %dma_start3A_354 = arith.constant 0 : i32
          %dma_start3A_355 = tpu.memref_slice %run_scoped3A_4[%rem3A_341, %dma_start3A_353, %dma_start3A_354] <%multiple_of3A_348> : memref<2x64x2048xf32, #tpu.memory_space<vmem>> -> memref<1x64x?xf32, #tpu.memory_space<vmem>>
          %dma_start3A_356 = tpu.memref_squeeze %dma_start3A_355 : memref<1x64x?xf32, #tpu.memory_space<vmem>> -> memref<64x?xf32, #tpu.memory_space<vmem>>
          %dma_start3A_357 = arith.constant 0 : i32
          %dma_start3A_358 = tpu.memref_slice %arg5[%dma_start3A_357, %mul3A_350] <%multiple_of3A_348> : memref<64x100000xf32, #tpu.memory_space<any>> -> memref<64x?xf32, #tpu.memory_space<any>>
          tpu.enqueue_dma source(%dma_start3A_358 : memref<64x?xf32, #tpu.memory_space<any>>) target(%dma_start3A_356 : memref<64x?xf32, #tpu.memory_space<vmem>>) target_semaphore(%dma_start3A_352 : memref<!tpu.dma_semaphore, #tpu.memory_space<semaphore_mem>>)
          "tpu.trace_stop"() : () -> ()
        } else {
        }
        %and3A_184 = arith.constant true
        %and3A_185 = arith.andi %and3A_180, %and3A_184 : i1
        %add3A_186 = arith.constant 1 : i32
        %add3A_187 = arith.addi %scan3A_125, %add3A_186 : i32
        %select_n3A_188 = arith.select %and3A_185, %add3A_187, %scan3A_125 : i32
        %ne3A_189 = arith.cmpi ne, %add3A_133, %add3A_143 : i32
        %or3A_190 = arith.constant false
        %or3A_191 = arith.ori %or3A_190, %ne3A_189 : i1
        %or3A_192 = arith.ori %or3A_191, %eq3A_129 : i1
        %convert_element_type3A_193 = arith.extui %or3A_192 : i1 to i32
        %cond3A_194 = arith.constant 0 : i32
        %cond3A_195 = arith.cmpi ne, %convert_element_type3A_193, %cond3A_194 : i32
        scf.if %cond3A_195 {
          "tpu.trace_start"() <{level = 10 : i32, message = "ep_wait_in"}> : () -> ()
          %mul3A = arith.constant 2048 : i32
          %mul3A_340 = arith.muli %mul3A, %add3A_133 : i32
          %eq3A_341 = arith.constant 48 : i32
          %eq3A_342 = arith.cmpi eq, %add3A_133, %eq3A_341 : i32
          %jit3A_343 = arith.constant 1792 : i32
          %jit3A_344 = arith.constant 2048 : i32
          %select_n3A_345 = arith.select %eq3A_342, %jit3A_343, %jit3A_344 : i32
          %multiple_of3A_346 = tpu.assume_multiple %select_n3A_345, 128 : i32
          %mul3A_347 = arith.constant 2048 : i32
          %mul3A_348 = arith.muli %add3A_133, %mul3A_347 : i32
          %rem3A_349 = arith.constant 2 : i32
          %rem3A_350 = arith.remui %scan3A_124, %rem3A_349 : i32
          %dma_wait3A = tpu.memref_slice %run_scoped3A_3[%rem3A_350] : memref<2x!tpu.dma_semaphore, #tpu.memory_space<semaphore_mem>> -> memref<1x!tpu.dma_semaphore, #tpu.memory_space<semaphore_mem>>
          %dma_wait3A_351 = tpu.memref_squeeze %dma_wait3A : memref<1x!tpu.dma_semaphore, #tpu.memory_space<semaphore_mem>> -> memref<!tpu.dma_semaphore, #tpu.memory_space<semaphore_mem>>
          %dma_wait3A_352 = arith.constant 0 : i32
          %dma_wait3A_353 = arith.constant 0 : i32
          %dma_wait3A_354 = tpu.memref_slice %run_scoped3A[%rem3A_350, %dma_wait3A_352, %dma_wait3A_353] <%multiple_of3A_346> : memref<2x1000x2048xf32, #tpu.memory_space<vmem>> -> memref<1x1000x?xf32, #tpu.memory_space<vmem>>
          %dma_wait3A_355 = tpu.memref_squeeze %dma_wait3A_354 : memref<1x1000x?xf32, #tpu.memory_space<vmem>> -> memref<1000x?xf32, #tpu.memory_space<vmem>>
          %dma_wait3A_356 = arith.constant 0 : i32
          %dma_wait3A_357 = tpu.memref_slice %arg4[%dma_wait3A_356, %mul3A_348] <%multiple_of3A_346> : memref<1000x100000xf32, #tpu.memory_space<any>> -> memref<1000x?xf32, #tpu.memory_space<any>>
          tpu.wait_dma2 semaphore(%dma_wait3A_351 : memref<!tpu.dma_semaphore, #tpu.memory_space<semaphore_mem>>) src(%dma_wait3A_357 : memref<1000x?xf32, #tpu.memory_space<any>>) dst(%dma_wait3A_355 : memref<1000x?xf32, #tpu.memory_space<vmem>>)
          "tpu.trace_stop"() : () -> ()
        } else {
        }
        %ne3A_196 = arith.cmpi ne, %add3A_133, %add3A_143 : i32
        %or3A_197 = arith.constant false
        %or3A_198 = arith.ori %or3A_197, %ne3A_196 : i1
        %or3A_199 = arith.ori %or3A_198, %eq3A_129 : i1
        %convert_element_type3A_200 = arith.extui %or3A_199 : i1 to i32
        %cond3A_201 = arith.constant 0 : i32
        %cond3A_202 = arith.cmpi ne, %convert_element_type3A_200, %cond3A_201 : i32
        scf.if %cond3A_202 {
          "tpu.trace_start"() <{level = 10 : i32, message = "ep_wait_in"}> : () -> ()
          %mul3A = arith.constant 2048 : i32
          %mul3A_340 = arith.muli %mul3A, %add3A_133 : i32
          %eq3A_341 = arith.constant 48 : i32
          %eq3A_342 = arith.cmpi eq, %add3A_133, %eq3A_341 : i32
          %jit3A_343 = arith.constant 1792 : i32
          %jit3A_344 = arith.constant 2048 : i32
          %select_n3A_345 = arith.select %eq3A_342, %jit3A_343, %jit3A_344 : i32
          %multiple_of3A_346 = tpu.assume_multiple %select_n3A_345, 128 : i32
          %mul3A_347 = arith.constant 2048 : i32
          %mul3A_348 = arith.muli %add3A_133, %mul3A_347 : i32
          %rem3A_349 = arith.constant 2 : i32
          %rem3A_350 = arith.remui %scan3A_126, %rem3A_349 : i32
          %dma_wait3A = tpu.memref_slice %run_scoped3A_5[%rem3A_350] : memref<2x!tpu.dma_semaphore, #tpu.memory_space<semaphore_mem>> -> memref<1x!tpu.dma_semaphore, #tpu.memory_space<semaphore_mem>>
          %dma_wait3A_351 = tpu.memref_squeeze %dma_wait3A : memref<1x!tpu.dma_semaphore, #tpu.memory_space<semaphore_mem>> -> memref<!tpu.dma_semaphore, #tpu.memory_space<semaphore_mem>>
          %dma_wait3A_352 = arith.constant 0 : i32
          %dma_wait3A_353 = arith.constant 0 : i32
          %dma_wait3A_354 = tpu.memref_slice %run_scoped3A_4[%rem3A_350, %dma_wait3A_352, %dma_wait3A_353] <%multiple_of3A_346> : memref<2x64x2048xf32, #tpu.memory_space<vmem>> -> memref<1x64x?xf32, #tpu.memory_space<vmem>>
          %dma_wait3A_355 = tpu.memref_squeeze %dma_wait3A_354 : memref<1x64x?xf32, #tpu.memory_space<vmem>> -> memref<64x?xf32, #tpu.memory_space<vmem>>
          %dma_wait3A_356 = arith.constant 0 : i32
          %dma_wait3A_357 = tpu.memref_slice %arg5[%dma_wait3A_356, %mul3A_348] <%multiple_of3A_346> : memref<64x100000xf32, #tpu.memory_space<any>> -> memref<64x?xf32, #tpu.memory_space<any>>
          tpu.wait_dma2 semaphore(%dma_wait3A_351 : memref<!tpu.dma_semaphore, #tpu.memory_space<semaphore_mem>>) src(%dma_wait3A_357 : memref<64x?xf32, #tpu.memory_space<any>>) dst(%dma_wait3A_355 : memref<64x?xf32, #tpu.memory_space<vmem>>)
          "tpu.trace_stop"() : () -> ()
        } else {
        }
        %rem3A_203 = arith.constant 2 : i32
        %rem3A_204 = arith.remui %scan3A_124, %rem3A_203 : i32
        %rem3A_205 = arith.constant 2 : i32
        %rem3A_206 = arith.remui %scan3A_126, %rem3A_205 : i32
        %gt3A = arith.constant 0 : i32
        "tpu.trace_start"() <{level = 10 : i32, message = "ep_run_kernel"}> : () -> ()
        %gt3A_207 = arith.cmpi sgt, %add3A_133, %gt3A : i32
        %convert_element_type3A_208 = arith.extui %gt3A_207 : i1 to i32
        %cond3A_209 = arith.constant 0 : i32
        %cond3A_210 = arith.cmpi ne, %convert_element_type3A_208, %cond3A_209 : i32
        scf.if %cond3A_210 {
          %sub3A_340 = arith.constant 1 : i32
          %sub3A_341 = arith.subi %add3A_133, %sub3A_340 : i32
          %get3A_342 = arith.index_cast %sub3A_341 : i32 to index
          %get3A_343 = memref.load %arg3[%get3A_342] : memref<50xi32, #tpu.memory_space<smem>>
          %get3A_344 = arith.index_cast %add3A_133 : i32 to index
          %get3A_345 = memref.load %arg3[%get3A_344] : memref<50xi32, #tpu.memory_space<smem>>
          %sub3A_346 = arith.subi %get3A_345, %get3A_343 : i32
          %add3A_347 = arith.constant 3 : i32
          %add3A_348 = arith.addi %sub3A_346, %add3A_347 : i32
          %jit3A_349 = arith.constant 4 : i32
          %div3A_350 = arith.divsi %add3A_348, %jit3A_349 : i32
          %sign3A_351 = arith.constant 0 : i32
          %sign3A_352 = arith.cmpi sgt, %add3A_348, %sign3A_351 : i32
          %sign3A_353 = arith.extui %sign3A_352 : i1 to i32
          %sign3A_354 = arith.constant 0 : i32
          %sign3A_355 = arith.cmpi slt, %add3A_348, %sign3A_354 : i32
          %sign3A_356 = arith.extui %sign3A_355 : i1 to i32
          %sign3A_357 = arith.subi %sign3A_353, %sign3A_356 : i32
          %sign3A_358 = arith.constant 0 : i32
          %sign3A_359 = arith.cmpi sgt, %jit3A_349, %sign3A_358 : i32
          %sign3A_360 = arith.extui %sign3A_359 : i1 to i32
          %sign3A_361 = arith.constant 0 : i32
          %sign3A_362 = arith.cmpi slt, %jit3A_349, %sign3A_361 : i32
          %sign3A_363 = arith.extui %sign3A_362 : i1 to i32
          %sign3A_364 = arith.subi %sign3A_360, %sign3A_363 : i32
          %ne3A_365 = arith.cmpi ne, %sign3A_357, %sign3A_364 : i32
          %rem3A_366 = arith.remsi %add3A_348, %jit3A_349 : i32
          %ne3A_367 = arith.constant 0 : i32
          %ne3A_368 = arith.cmpi ne, %rem3A_366, %ne3A_367 : i32
          %and3A_369 = arith.andi %ne3A_365, %ne3A_368 : i1
          %sub3A_370 = arith.constant 1 : i32
          %sub3A_371 = arith.subi %div3A_350, %sub3A_370 : i32
          %select_n3A_372 = arith.select %and3A_369, %sub3A_371, %div3A_350 : i32
          %while3A_373 = arith.constant 0 : i32
          %while3A_374 = arith.constant 0 : i32
          %while3A_375 = arith.subi %select_n3A_372, %while3A_373 : i32
          %while3A_376 = arith.addi %while3A_373, %while3A_375 : i32
          %while3A_377 = arith.constant 1 : i32
          %while3A_378 = arith.divsi %while3A_375, %while3A_377 : i32
          %while3A_379 = arith.muli %while3A_378, %while3A_377 : i32
          %while3A_380 = arith.addi %while3A_373, %while3A_379 : i32
          %while3A_381 = arith.constant 1 : i32
          %while3A_382 = scf.for %while3A_385 = %while3A_373 to %while3A_380 step %while3A_381 iter_args(%while3A_386 = %while3A_374) -> (i32)  : i32 {
            %dma_wait3A = arith.constant 0 : i32
            %dma_wait3A_387 = arith.constant 0 : i32
            %dma_wait3A_388 = tpu.memref_slice %arg7[%dma_wait3A, %dma_wait3A_387] : memref<4096x1000xf32, #tpu.memory_space<any>> -> memref<1x1000xf32, #tpu.memory_space<any>>
            %dma_wait3A_389 = arith.constant 0 : i32
            %dma_wait3A_390 = arith.constant 0 : i32
            %dma_wait3A_391 = tpu.memref_slice %arg9[%dma_wait3A_389, %dma_wait3A_390] : memref<2048x1000xf32, #tpu.memory_space<vmem>> -> memref<1x1000xf32, #tpu.memory_space<vmem>>
            tpu.wait_dma2 semaphore(%arg11 : memref<!tpu.dma_semaphore, #tpu.memory_space<semaphore_mem>>) src(%dma_wait3A_391 : memref<1x1000xf32, #tpu.memory_space<vmem>>) dst(%dma_wait3A_388 : memref<1x1000xf32, #tpu.memory_space<any>>)
            %dma_wait3A_392 = arith.constant 0 : i32
            %dma_wait3A_393 = arith.constant 0 : i32
            %dma_wait3A_394 = tpu.memref_slice %arg8[%dma_wait3A_392, %dma_wait3A_393] : memref<4096x64xf32, #tpu.memory_space<any>> -> memref<1x64xf32, #tpu.memory_space<any>>
            %dma_wait3A_395 = arith.constant 0 : i32
            %dma_wait3A_396 = arith.constant 0 : i32
            %dma_wait3A_397 = tpu.memref_slice %arg10[%dma_wait3A_395, %dma_wait3A_396] : memref<2048x64xf32, #tpu.memory_space<vmem>> -> memref<1x64xf32, #tpu.memory_space<vmem>>
            tpu.wait_dma2 semaphore(%arg12 : memref<!tpu.dma_semaphore, #tpu.memory_space<semaphore_mem>>) src(%dma_wait3A_397 : memref<1x64xf32, #tpu.memory_space<vmem>>) dst(%dma_wait3A_394 : memref<1x64xf32, #tpu.memory_space<any>>)
            %dma_wait3A_398 = arith.constant 0 : i32
            %dma_wait3A_399 = arith.constant 0 : i32
            %dma_wait3A_400 = tpu.memref_slice %arg7[%dma_wait3A_398, %dma_wait3A_399] : memref<4096x1000xf32, #tpu.memory_space<any>> -> memref<1x1000xf32, #tpu.memory_space<any>>
            %dma_wait3A_401 = arith.constant 0 : i32
            %dma_wait3A_402 = arith.constant 0 : i32
            %dma_wait3A_403 = tpu.memref_slice %arg9[%dma_wait3A_401, %dma_wait3A_402] : memref<2048x1000xf32, #tpu.memory_space<vmem>> -> memref<1x1000xf32, #tpu.memory_space<vmem>>
            tpu.wait_dma2 semaphore(%arg11 : memref<!tpu.dma_semaphore, #tpu.memory_space<semaphore_mem>>) src(%dma_wait3A_403 : memref<1x1000xf32, #tpu.memory_space<vmem>>) dst(%dma_wait3A_400 : memref<1x1000xf32, #tpu.memory_space<any>>)
            %dma_wait3A_404 = arith.constant 0 : i32
            %dma_wait3A_405 = arith.constant 0 : i32
            %dma_wait3A_406 = tpu.memref_slice %arg8[%dma_wait3A_404, %dma_wait3A_405] : memref<4096x64xf32, #tpu.memory_space<any>> -> memref<1x64xf32, #tpu.memory_space<any>>
            %dma_wait3A_407 = arith.constant 0 : i32
            %dma_wait3A_408 = arith.constant 0 : i32
            %dma_wait3A_409 = tpu.memref_slice %arg10[%dma_wait3A_407, %dma_wait3A_408] : memref<2048x64xf32, #tpu.memory_space<vmem>> -> memref<1x64xf32, #tpu.memory_space<vmem>>
            tpu.wait_dma2 semaphore(%arg12 : memref<!tpu.dma_semaphore, #tpu.memory_space<semaphore_mem>>) src(%dma_wait3A_409 : memref<1x64xf32, #tpu.memory_space<vmem>>) dst(%dma_wait3A_406 : memref<1x64xf32, #tpu.memory_space<any>>)
            %dma_wait3A_410 = arith.constant 0 : i32
            %dma_wait3A_411 = arith.constant 0 : i32
            %dma_wait3A_412 = tpu.memref_slice %arg7[%dma_wait3A_410, %dma_wait3A_411] : memref<4096x1000xf32, #tpu.memory_space<any>> -> memref<1x1000xf32, #tpu.memory_space<any>>
            %dma_wait3A_413 = arith.constant 0 : i32
            %dma_wait3A_414 = arith.constant 0 : i32
            %dma_wait3A_415 = tpu.memref_slice %arg9[%dma_wait3A_413, %dma_wait3A_414] : memref<2048x1000xf32, #tpu.memory_space<vmem>> -> memref<1x1000xf32, #tpu.memory_space<vmem>>
            tpu.wait_dma2 semaphore(%arg11 : memref<!tpu.dma_semaphore, #tpu.memory_space<semaphore_mem>>) src(%dma_wait3A_415 : memref<1x1000xf32, #tpu.memory_space<vmem>>) dst(%dma_wait3A_412 : memref<1x1000xf32, #tpu.memory_space<any>>)
            %dma_wait3A_416 = arith.constant 0 : i32
            %dma_wait3A_417 = arith.constant 0 : i32
            %dma_wait3A_418 = tpu.memref_slice %arg8[%dma_wait3A_416, %dma_wait3A_417] : memref<4096x64xf32, #tpu.memory_space<any>> -> memref<1x64xf32, #tpu.memory_space<any>>
            %dma_wait3A_419 = arith.constant 0 : i32
            %dma_wait3A_420 = arith.constant 0 : i32
            %dma_wait3A_421 = tpu.memref_slice %arg10[%dma_wait3A_419, %dma_wait3A_420] : memref<2048x64xf32, #tpu.memory_space<vmem>> -> memref<1x64xf32, #tpu.memory_space<vmem>>
            tpu.wait_dma2 semaphore(%arg12 : memref<!tpu.dma_semaphore, #tpu.memory_space<semaphore_mem>>) src(%dma_wait3A_421 : memref<1x64xf32, #tpu.memory_space<vmem>>) dst(%dma_wait3A_418 : memref<1x64xf32, #tpu.memory_space<any>>)
            %dma_wait3A_422 = arith.constant 0 : i32
            %dma_wait3A_423 = arith.constant 0 : i32
            %dma_wait3A_424 = tpu.memref_slice %arg7[%dma_wait3A_422, %dma_wait3A_423] : memref<4096x1000xf32, #tpu.memory_space<any>> -> memref<1x1000xf32, #tpu.memory_space<any>>
            %dma_wait3A_425 = arith.constant 0 : i32
            %dma_wait3A_426 = arith.constant 0 : i32
            %dma_wait3A_427 = tpu.memref_slice %arg9[%dma_wait3A_425, %dma_wait3A_426] : memref<2048x1000xf32, #tpu.memory_space<vmem>> -> memref<1x1000xf32, #tpu.memory_space<vmem>>
            tpu.wait_dma2 semaphore(%arg11 : memref<!tpu.dma_semaphore, #tpu.memory_space<semaphore_mem>>) src(%dma_wait3A_427 : memref<1x1000xf32, #tpu.memory_space<vmem>>) dst(%dma_wait3A_424 : memref<1x1000xf32, #tpu.memory_space<any>>)
            %dma_wait3A_428 = arith.constant 0 : i32
            %dma_wait3A_429 = arith.constant 0 : i32
            %dma_wait3A_430 = tpu.memref_slice %arg8[%dma_wait3A_428, %dma_wait3A_429] : memref<4096x64xf32, #tpu.memory_space<any>> -> memref<1x64xf32, #tpu.memory_space<any>>
            %dma_wait3A_431 = arith.constant 0 : i32
            %dma_wait3A_432 = arith.constant 0 : i32
            %dma_wait3A_433 = tpu.memref_slice %arg10[%dma_wait3A_431, %dma_wait3A_432] : memref<2048x64xf32, #tpu.memory_space<vmem>> -> memref<1x64xf32, #tpu.memory_space<vmem>>
            tpu.wait_dma2 semaphore(%arg12 : memref<!tpu.dma_semaphore, #tpu.memory_space<semaphore_mem>>) src(%dma_wait3A_433 : memref<1x64xf32, #tpu.memory_space<vmem>>) dst(%dma_wait3A_430 : memref<1x64xf32, #tpu.memory_space<any>>)
            %while3A_434 = arith.constant 0 : i32
            scf.yield %while3A_434 : i32
          }
          %while3A_383 = arith.constant 1 : i32
          %while3A_384 = scf.for %while3A_385 = %while3A_380 to %while3A_376 step %while3A_383 iter_args(%while3A_386 = %while3A_382) -> (i32)  : i32 {
            %dma_wait3A = arith.constant 0 : i32
            %dma_wait3A_387 = arith.constant 0 : i32
            %dma_wait3A_388 = tpu.memref_slice %arg7[%dma_wait3A, %dma_wait3A_387] : memref<4096x1000xf32, #tpu.memory_space<any>> -> memref<1x1000xf32, #tpu.memory_space<any>>
            %dma_wait3A_389 = arith.constant 0 : i32
            %dma_wait3A_390 = arith.constant 0 : i32
            %dma_wait3A_391 = tpu.memref_slice %arg9[%dma_wait3A_389, %dma_wait3A_390] : memref<2048x1000xf32, #tpu.memory_space<vmem>> -> memref<1x1000xf32, #tpu.memory_space<vmem>>
            tpu.wait_dma2 semaphore(%arg11 : memref<!tpu.dma_semaphore, #tpu.memory_space<semaphore_mem>>) src(%dma_wait3A_391 : memref<1x1000xf32, #tpu.memory_space<vmem>>) dst(%dma_wait3A_388 : memref<1x1000xf32, #tpu.memory_space<any>>)
            %dma_wait3A_392 = arith.constant 0 : i32
            %dma_wait3A_393 = arith.constant 0 : i32
            %dma_wait3A_394 = tpu.memref_slice %arg8[%dma_wait3A_392, %dma_wait3A_393] : memref<4096x64xf32, #tpu.memory_space<any>> -> memref<1x64xf32, #tpu.memory_space<any>>
            %dma_wait3A_395 = arith.constant 0 : i32
            %dma_wait3A_396 = arith.constant 0 : i32
            %dma_wait3A_397 = tpu.memref_slice %arg10[%dma_wait3A_395, %dma_wait3A_396] : memref<2048x64xf32, #tpu.memory_space<vmem>> -> memref<1x64xf32, #tpu.memory_space<vmem>>
            tpu.wait_dma2 semaphore(%arg12 : memref<!tpu.dma_semaphore, #tpu.memory_space<semaphore_mem>>) src(%dma_wait3A_397 : memref<1x64xf32, #tpu.memory_space<vmem>>) dst(%dma_wait3A_394 : memref<1x64xf32, #tpu.memory_space<any>>)
            %dma_wait3A_398 = arith.constant 0 : i32
            %dma_wait3A_399 = arith.constant 0 : i32
            %dma_wait3A_400 = tpu.memref_slice %arg7[%dma_wait3A_398, %dma_wait3A_399] : memref<4096x1000xf32, #tpu.memory_space<any>> -> memref<1x1000xf32, #tpu.memory_space<any>>
            %dma_wait3A_401 = arith.constant 0 : i32
            %dma_wait3A_402 = arith.constant 0 : i32
            %dma_wait3A_403 = tpu.memref_slice %arg9[%dma_wait3A_401, %dma_wait3A_402] : memref<2048x1000xf32, #tpu.memory_space<vmem>> -> memref<1x1000xf32, #tpu.memory_space<vmem>>
            tpu.wait_dma2 semaphore(%arg11 : memref<!tpu.dma_semaphore, #tpu.memory_space<semaphore_mem>>) src(%dma_wait3A_403 : memref<1x1000xf32, #tpu.memory_space<vmem>>) dst(%dma_wait3A_400 : memref<1x1000xf32, #tpu.memory_space<any>>)
            %dma_wait3A_404 = arith.constant 0 : i32
            %dma_wait3A_405 = arith.constant 0 : i32
            %dma_wait3A_406 = tpu.memref_slice %arg8[%dma_wait3A_404, %dma_wait3A_405] : memref<4096x64xf32, #tpu.memory_space<any>> -> memref<1x64xf32, #tpu.memory_space<any>>
            %dma_wait3A_407 = arith.constant 0 : i32
            %dma_wait3A_408 = arith.constant 0 : i32
            %dma_wait3A_409 = tpu.memref_slice %arg10[%dma_wait3A_407, %dma_wait3A_408] : memref<2048x64xf32, #tpu.memory_space<vmem>> -> memref<1x64xf32, #tpu.memory_space<vmem>>
            tpu.wait_dma2 semaphore(%arg12 : memref<!tpu.dma_semaphore, #tpu.memory_space<semaphore_mem>>) src(%dma_wait3A_409 : memref<1x64xf32, #tpu.memory_space<vmem>>) dst(%dma_wait3A_406 : memref<1x64xf32, #tpu.memory_space<any>>)
            %dma_wait3A_410 = arith.constant 0 : i32
            %dma_wait3A_411 = arith.constant 0 : i32
            %dma_wait3A_412 = tpu.memref_slice %arg7[%dma_wait3A_410, %dma_wait3A_411] : memref<4096x1000xf32, #tpu.memory_space<any>> -> memref<1x1000xf32, #tpu.memory_space<any>>
            %dma_wait3A_413 = arith.constant 0 : i32
            %dma_wait3A_414 = arith.constant 0 : i32
            %dma_wait3A_415 = tpu.memref_slice %arg9[%dma_wait3A_413, %dma_wait3A_414] : memref<2048x1000xf32, #tpu.memory_space<vmem>> -> memref<1x1000xf32, #tpu.memory_space<vmem>>
            tpu.wait_dma2 semaphore(%arg11 : memref<!tpu.dma_semaphore, #tpu.memory_space<semaphore_mem>>) src(%dma_wait3A_415 : memref<1x1000xf32, #tpu.memory_space<vmem>>) dst(%dma_wait3A_412 : memref<1x1000xf32, #tpu.memory_space<any>>)
            %dma_wait3A_416 = arith.constant 0 : i32
            %dma_wait3A_417 = arith.constant 0 : i32
            %dma_wait3A_418 = tpu.memref_slice %arg8[%dma_wait3A_416, %dma_wait3A_417] : memref<4096x64xf32, #tpu.memory_space<any>> -> memref<1x64xf32, #tpu.memory_space<any>>
            %dma_wait3A_419 = arith.constant 0 : i32
            %dma_wait3A_420 = arith.constant 0 : i32
            %dma_wait3A_421 = tpu.memref_slice %arg10[%dma_wait3A_419, %dma_wait3A_420] : memref<2048x64xf32, #tpu.memory_space<vmem>> -> memref<1x64xf32, #tpu.memory_space<vmem>>
            tpu.wait_dma2 semaphore(%arg12 : memref<!tpu.dma_semaphore, #tpu.memory_space<semaphore_mem>>) src(%dma_wait3A_421 : memref<1x64xf32, #tpu.memory_space<vmem>>) dst(%dma_wait3A_418 : memref<1x64xf32, #tpu.memory_space<any>>)
            %dma_wait3A_422 = arith.constant 0 : i32
            %dma_wait3A_423 = arith.constant 0 : i32
            %dma_wait3A_424 = tpu.memref_slice %arg7[%dma_wait3A_422, %dma_wait3A_423] : memref<4096x1000xf32, #tpu.memory_space<any>> -> memref<1x1000xf32, #tpu.memory_space<any>>
            %dma_wait3A_425 = arith.constant 0 : i32
            %dma_wait3A_426 = arith.constant 0 : i32
            %dma_wait3A_427 = tpu.memref_slice %arg9[%dma_wait3A_425, %dma_wait3A_426] : memref<2048x1000xf32, #tpu.memory_space<vmem>> -> memref<1x1000xf32, #tpu.memory_space<vmem>>
            tpu.wait_dma2 semaphore(%arg11 : memref<!tpu.dma_semaphore, #tpu.memory_space<semaphore_mem>>) src(%dma_wait3A_427 : memref<1x1000xf32, #tpu.memory_space<vmem>>) dst(%dma_wait3A_424 : memref<1x1000xf32, #tpu.memory_space<any>>)
            %dma_wait3A_428 = arith.constant 0 : i32
            %dma_wait3A_429 = arith.constant 0 : i32
            %dma_wait3A_430 = tpu.memref_slice %arg8[%dma_wait3A_428, %dma_wait3A_429] : memref<4096x64xf32, #tpu.memory_space<any>> -> memref<1x64xf32, #tpu.memory_space<any>>
            %dma_wait3A_431 = arith.constant 0 : i32
            %dma_wait3A_432 = arith.constant 0 : i32
            %dma_wait3A_433 = tpu.memref_slice %arg10[%dma_wait3A_431, %dma_wait3A_432] : memref<2048x64xf32, #tpu.memory_space<vmem>> -> memref<1x64xf32, #tpu.memory_space<vmem>>
            tpu.wait_dma2 semaphore(%arg12 : memref<!tpu.dma_semaphore, #tpu.memory_space<semaphore_mem>>) src(%dma_wait3A_433 : memref<1x64xf32, #tpu.memory_space<vmem>>) dst(%dma_wait3A_430 : memref<1x64xf32, #tpu.memory_space<any>>)
            %while3A_434 = arith.constant 0 : i32
            scf.yield %while3A_434 : i32
          }
        } else {
        }
        %get3A = arith.index_cast %rem3A_204 : i32 to index
        %get3A_211 = arith.constant 0 : index
        %get3A_212 = arith.constant 0 : index
        %get3A_213 = vector.load %run_scoped3A[%get3A, %get3A_211, %get3A_212] : memref<2x1000x2048xf32, #tpu.memory_space<vmem>>, vector<1x1000x2048xf32>
        %get3A_214 = vector.shape_cast %get3A_213 : vector<1x1000x2048xf32> to vector<1000x2048xf32>
        %transpose3A = tpu.transpose %get3A_214, [1, 0] : vector<1000x2048xf32> -> vector<2048x1000xf32>
        %swap3A_215 = arith.constant 0 : index
        %swap3A_216 = arith.constant 0 : index
        %swap3A_217 = vector.load %arg9[%swap3A_215, %swap3A_216] : memref<2048x1000xf32, #tpu.memory_space<vmem>>, vector<2048x1000xf32>
        tpu.vector_store %arg9[%swap3A_215, %swap3A_216], %transpose3A {strides = array<i32>} : memref<2048x1000xf32, #tpu.memory_space<vmem>>, vector<2048x1000xf32>,
        %get3A_218 = arith.index_cast %rem3A_206 : i32 to index
        %get3A_219 = arith.constant 0 : index
        %get3A_220 = arith.constant 0 : index
        %get3A_221 = vector.load %run_scoped3A_4[%get3A_218, %get3A_219, %get3A_220] : memref<2x64x2048xf32, #tpu.memory_space<vmem>>, vector<1x64x2048xf32>
        %get3A_222 = vector.shape_cast %get3A_221 : vector<1x64x2048xf32> to vector<64x2048xf32>
        %transpose3A_223 = tpu.transpose %get3A_222, [1, 0] : vector<64x2048xf32> -> vector<2048x64xf32>
        %swap3A_224 = arith.constant 0 : index
        %swap3A_225 = arith.constant 0 : index
        %swap3A_226 = vector.load %arg10[%swap3A_224, %swap3A_225] : memref<2048x64xf32, #tpu.memory_space<vmem>>, vector<2048x64xf32>
        tpu.vector_store %arg10[%swap3A_224, %swap3A_225], %transpose3A_223 {strides = array<i32>} : memref<2048x64xf32, #tpu.memory_space<vmem>>, vector<2048x64xf32>,
        %get3A_227 = arith.index_cast %add3A_133 : i32 to index
        %get3A_228 = memref.load %arg3[%get3A_227] : memref<50xi32, #tpu.memory_space<smem>>
        %add3A_229 = arith.constant 1 : i32
        %add3A_230 = arith.addi %add3A_133, %add3A_229 : i32
        %get3A_231 = arith.index_cast %add3A_230 : i32 to index
        %get3A_232 = memref.load %arg3[%get3A_231] : memref<50xi32, #tpu.memory_space<smem>>
        %sub3A_233 = arith.subi %get3A_232, %get3A_228 : i32
        %add3A_234 = arith.constant 3 : i32
        %add3A_235 = arith.addi %sub3A_233, %add3A_234 : i32
        %jit3A_236 = arith.constant 4 : i32
        %div3A = arith.divsi %add3A_235, %jit3A_236 : i32
        %sign3A = arith.constant 0 : i32
        %sign3A_237 = arith.cmpi sgt, %add3A_235, %sign3A : i32
        %sign3A_238 = arith.extui %sign3A_237 : i1 to i32
        %sign3A_239 = arith.constant 0 : i32
        %sign3A_240 = arith.cmpi slt, %add3A_235, %sign3A_239 : i32
        %sign3A_241 = arith.extui %sign3A_240 : i1 to i32
        %sign3A_242 = arith.subi %sign3A_238, %sign3A_241 : i32
        %sign3A_243 = arith.constant 0 : i32
        %sign3A_244 = arith.cmpi sgt, %jit3A_236, %sign3A_243 : i32
        %sign3A_245 = arith.extui %sign3A_244 : i1 to i32
        %sign3A_246 = arith.constant 0 : i32
        %sign3A_247 = arith.cmpi slt, %jit3A_236, %sign3A_246 : i32
        %sign3A_248 = arith.extui %sign3A_247 : i1 to i32
        %sign3A_249 = arith.subi %sign3A_245, %sign3A_248 : i32
        %ne3A_250 = arith.cmpi ne, %sign3A_242, %sign3A_249 : i32
        %rem3A_251 = arith.remsi %add3A_235, %jit3A_236 : i32
        %ne3A_252 = arith.constant 0 : i32
        %ne3A_253 = arith.cmpi ne, %rem3A_251, %ne3A_252 : i32
        %and3A_254 = arith.andi %ne3A_250, %ne3A_253 : i1
        %sub3A_255 = arith.constant 1 : i32
        %sub3A_256 = arith.subi %div3A, %sub3A_255 : i32
        %select_n3A_257 = arith.select %and3A_254, %sub3A_256, %div3A : i32
        %while3A = arith.constant 0 : i32
        %while3A_258 = arith.constant 0 : i32
        %while3A_259 = arith.subi %select_n3A_257, %while3A : i32
        %while3A_260 = arith.addi %while3A, %while3A_259 : i32
        %while3A_261 = arith.constant 1 : i32
        %while3A_262 = arith.divsi %while3A_259, %while3A_261 : i32
        %while3A_263 = arith.muli %while3A_262, %while3A_261 : i32
        %while3A_264 = arith.addi %while3A, %while3A_263 : i32
        %while3A_265 = arith.constant 1 : i32
        %while3A_266 = scf.for %while3A_340 = %while3A to %while3A_264 step %while3A_265 iter_args(%while3A_341 = %while3A_258) -> (i32)  : i32 {
          %mul3A = arith.constant 4 : i32
          %mul3A_342 = arith.muli %while3A_340, %mul3A : i32
          %add3A_343 = arith.addi %get3A_228, %mul3A_342 : i32
          %add3A_344 = arith.constant 0 : i32
          %add3A_345 = arith.addi %add3A_343, %add3A_344 : i32
          %sub3A_346 = arith.constant 1 : i32
          %sub3A_347 = arith.subi %get3A_232, %sub3A_346 : i32
          %min3A = arith.minsi %add3A_345, %sub3A_347 : i32
          %get3A_348 = arith.index_cast %min3A : i32 to index
          %get3A_349 = memref.load %arg1[%get3A_348] : memref<4096xi32, #tpu.memory_space<smem>>
          %mul3A_350 = arith.constant 2048 : i32
          %mul3A_351 = arith.muli %add3A_133, %mul3A_350 : i32
          %sub3A_352 = arith.subi %get3A_349, %mul3A_351 : i32
          %get3A_353 = arith.index_cast %min3A : i32 to index
          %get3A_354 = memref.load %arg2[%get3A_353] : memref<4096xi32, #tpu.memory_space<smem>>
          %dma_start3A_355 = arith.constant 0 : i32
          %dma_start3A_356 = tpu.memref_slice %arg7[%get3A_354, %dma_start3A_355] : memref<4096x1000xf32, #tpu.memory_space<any>> -> memref<1x1000xf32, #tpu.memory_space<any>>
          %dma_start3A_357 = arith.constant 0 : i32
          %dma_start3A_358 = tpu.memref_slice %arg9[%sub3A_352, %dma_start3A_357] : memref<2048x1000xf32, #tpu.memory_space<vmem>> -> memref<1x1000xf32, #tpu.memory_space<vmem>>
          tpu.enqueue_dma source(%dma_start3A_358 : memref<1x1000xf32, #tpu.memory_space<vmem>>) target(%dma_start3A_356 : memref<1x1000xf32, #tpu.memory_space<any>>) target_semaphore(%arg11 : memref<!tpu.dma_semaphore, #tpu.memory_space<semaphore_mem>>)
          %dma_start3A_359 = arith.constant 0 : i32
          %dma_start3A_360 = tpu.memref_slice %arg8[%get3A_354, %dma_start3A_359] : memref<4096x64xf32, #tpu.memory_space<any>> -> memref<1x64xf32, #tpu.memory_space<any>>
          %dma_start3A_361 = arith.constant 0 : i32
          %dma_start3A_362 = tpu.memref_slice %arg10[%sub3A_352, %dma_start3A_361] : memref<2048x64xf32, #tpu.memory_space<vmem>> -> memref<1x64xf32, #tpu.memory_space<vmem>>
          tpu.enqueue_dma source(%dma_start3A_362 : memref<1x64xf32, #tpu.memory_space<vmem>>) target(%dma_start3A_360 : memref<1x64xf32, #tpu.memory_space<any>>) target_semaphore(%arg12 : memref<!tpu.dma_semaphore, #tpu.memory_space<semaphore_mem>>)
          %add3A_363 = arith.constant 1 : i32
          %add3A_364 = arith.addi %add3A_343, %add3A_363 : i32
          %sub3A_365 = arith.constant 1 : i32
          %sub3A_366 = arith.subi %get3A_232, %sub3A_365 : i32
          %min3A_367 = arith.minsi %add3A_364, %sub3A_366 : i32
          %get3A_368 = arith.index_cast %min3A_367 : i32 to index
          %get3A_369 = memref.load %arg1[%get3A_368] : memref<4096xi32, #tpu.memory_space<smem>>
          %mul3A_370 = arith.constant 2048 : i32
          %mul3A_371 = arith.muli %add3A_133, %mul3A_370 : i32
          %sub3A_372 = arith.subi %get3A_369, %mul3A_371 : i32
          %get3A_373 = arith.index_cast %min3A_367 : i32 to index
          %get3A_374 = memref.load %arg2[%get3A_373] : memref<4096xi32, #tpu.memory_space<smem>>
          %dma_start3A_375 = arith.constant 0 : i32
          %dma_start3A_376 = tpu.memref_slice %arg7[%get3A_374, %dma_start3A_375] : memref<4096x1000xf32, #tpu.memory_space<any>> -> memref<1x1000xf32, #tpu.memory_space<any>>
          %dma_start3A_377 = arith.constant 0 : i32
          %dma_start3A_378 = tpu.memref_slice %arg9[%sub3A_372, %dma_start3A_377] : memref<2048x1000xf32, #tpu.memory_space<vmem>> -> memref<1x1000xf32, #tpu.memory_space<vmem>>
          tpu.enqueue_dma source(%dma_start3A_378 : memref<1x1000xf32, #tpu.memory_space<vmem>>) target(%dma_start3A_376 : memref<1x1000xf32, #tpu.memory_space<any>>) target_semaphore(%arg11 : memref<!tpu.dma_semaphore, #tpu.memory_space<semaphore_mem>>)
          %dma_start3A_379 = arith.constant 0 : i32
          %dma_start3A_380 = tpu.memref_slice %arg8[%get3A_374, %dma_start3A_379] : memref<4096x64xf32, #tpu.memory_space<any>> -> memref<1x64xf32, #tpu.memory_space<any>>
          %dma_start3A_381 = arith.constant 0 : i32
          %dma_start3A_382 = tpu.memref_slice %arg10[%sub3A_372, %dma_start3A_381] : memref<2048x64xf32, #tpu.memory_space<vmem>> -> memref<1x64xf32, #tpu.memory_space<vmem>>
          tpu.enqueue_dma source(%dma_start3A_382 : memref<1x64xf32, #tpu.memory_space<vmem>>) target(%dma_start3A_380 : memref<1x64xf32, #tpu.memory_space<any>>) target_semaphore(%arg12 : memref<!tpu.dma_semaphore, #tpu.memory_space<semaphore_mem>>)
          %add3A_383 = arith.constant 2 : i32
          %add3A_384 = arith.addi %add3A_343, %add3A_383 : i32
          %sub3A_385 = arith.constant 1 : i32
          %sub3A_386 = arith.subi %get3A_232, %sub3A_385 : i32
          %min3A_387 = arith.minsi %add3A_384, %sub3A_386 : i32
          %get3A_388 = arith.index_cast %min3A_387 : i32 to index
          %get3A_389 = memref.load %arg1[%get3A_388] : memref<4096xi32, #tpu.memory_space<smem>>
          %mul3A_390 = arith.constant 2048 : i32
          %mul3A_391 = arith.muli %add3A_133, %mul3A_390 : i32
          %sub3A_392 = arith.subi %get3A_389, %mul3A_391 : i32
          %get3A_393 = arith.index_cast %min3A_387 : i32 to index
          %get3A_394 = memref.load %arg2[%get3A_393] : memref<4096xi32, #tpu.memory_space<smem>>
          %dma_start3A_395 = arith.constant 0 : i32
          %dma_start3A_396 = tpu.memref_slice %arg7[%get3A_394, %dma_start3A_395] : memref<4096x1000xf32, #tpu.memory_space<any>> -> memref<1x1000xf32, #tpu.memory_space<any>>
          %dma_start3A_397 = arith.constant 0 : i32
          %dma_start3A_398 = tpu.memref_slice %arg9[%sub3A_392, %dma_start3A_397] : memref<2048x1000xf32, #tpu.memory_space<vmem>> -> memref<1x1000xf32, #tpu.memory_space<vmem>>
          tpu.enqueue_dma source(%dma_start3A_398 : memref<1x1000xf32, #tpu.memory_space<vmem>>) target(%dma_start3A_396 : memref<1x1000xf32, #tpu.memory_space<any>>) target_semaphore(%arg11 : memref<!tpu.dma_semaphore, #tpu.memory_space<semaphore_mem>>)
          %dma_start3A_399 = arith.constant 0 : i32
          %dma_start3A_400 = tpu.memref_slice %arg8[%get3A_394, %dma_start3A_399] : memref<4096x64xf32, #tpu.memory_space<any>> -> memref<1x64xf32, #tpu.memory_space<any>>
          %dma_start3A_401 = arith.constant 0 : i32
          %dma_start3A_402 = tpu.memref_slice %arg10[%sub3A_392, %dma_start3A_401] : memref<2048x64xf32, #tpu.memory_space<vmem>> -> memref<1x64xf32, #tpu.memory_space<vmem>>
          tpu.enqueue_dma source(%dma_start3A_402 : memref<1x64xf32, #tpu.memory_space<vmem>>) target(%dma_start3A_400 : memref<1x64xf32, #tpu.memory_space<any>>) target_semaphore(%arg12 : memref<!tpu.dma_semaphore, #tpu.memory_space<semaphore_mem>>)
          %add3A_403 = arith.constant 3 : i32
          %add3A_404 = arith.addi %add3A_343, %add3A_403 : i32
          %sub3A_405 = arith.constant 1 : i32
          %sub3A_406 = arith.subi %get3A_232, %sub3A_405 : i32
          %min3A_407 = arith.minsi %add3A_404, %sub3A_406 : i32
          %get3A_408 = arith.index_cast %min3A_407 : i32 to index
          %get3A_409 = memref.load %arg1[%get3A_408] : memref<4096xi32, #tpu.memory_space<smem>>
          %mul3A_410 = arith.constant 2048 : i32
          %mul3A_411 = arith.muli %add3A_133, %mul3A_410 : i32
          %sub3A_412 = arith.subi %get3A_409, %mul3A_411 : i32
          %get3A_413 = arith.index_cast %min3A_407 : i32 to index
          %get3A_414 = memref.load %arg2[%get3A_413] : memref<4096xi32, #tpu.memory_space<smem>>
          %dma_start3A_415 = arith.constant 0 : i32
          %dma_start3A_416 = tpu.memref_slice %arg7[%get3A_414, %dma_start3A_415] : memref<4096x1000xf32, #tpu.memory_space<any>> -> memref<1x1000xf32, #tpu.memory_space<any>>
          %dma_start3A_417 = arith.constant 0 : i32
          %dma_start3A_418 = tpu.memref_slice %arg9[%sub3A_412, %dma_start3A_417] : memref<2048x1000xf32, #tpu.memory_space<vmem>> -> memref<1x1000xf32, #tpu.memory_space<vmem>>
          tpu.enqueue_dma source(%dma_start3A_418 : memref<1x1000xf32, #tpu.memory_space<vmem>>) target(%dma_start3A_416 : memref<1x1000xf32, #tpu.memory_space<any>>) target_semaphore(%arg11 : memref<!tpu.dma_semaphore, #tpu.memory_space<semaphore_mem>>)
          %dma_start3A_419 = arith.constant 0 : i32
          %dma_start3A_420 = tpu.memref_slice %arg8[%get3A_414, %dma_start3A_419] : memref<4096x64xf32, #tpu.memory_space<any>> -> memref<1x64xf32, #tpu.memory_space<any>>
          %dma_start3A_421 = arith.constant 0 : i32
          %dma_start3A_422 = tpu.memref_slice %arg10[%sub3A_412, %dma_start3A_421] : memref<2048x64xf32, #tpu.memory_space<vmem>> -> memref<1x64xf32, #tpu.memory_space<vmem>>
          tpu.enqueue_dma source(%dma_start3A_422 : memref<1x64xf32, #tpu.memory_space<vmem>>) target(%dma_start3A_420 : memref<1x64xf32, #tpu.memory_space<any>>) target_semaphore(%arg12 : memref<!tpu.dma_semaphore, #tpu.memory_space<semaphore_mem>>)
          %while3A_423 = arith.constant 0 : i32
          scf.yield %while3A_423 : i32
        }
        %while3A_267 = arith.constant 1 : i32
        %while3A_268 = scf.for %while3A_340 = %while3A_264 to %while3A_260 step %while3A_267 iter_args(%while3A_341 = %while3A_266) -> (i32)  : i32 {
          %mul3A = arith.constant 4 : i32
          %mul3A_342 = arith.muli %while3A_340, %mul3A : i32
          %add3A_343 = arith.addi %get3A_228, %mul3A_342 : i32
          %add3A_344 = arith.constant 0 : i32
          %add3A_345 = arith.addi %add3A_343, %add3A_344 : i32
          %sub3A_346 = arith.constant 1 : i32
          %sub3A_347 = arith.subi %get3A_232, %sub3A_346 : i32
          %min3A = arith.minsi %add3A_345, %sub3A_347 : i32
          %get3A_348 = arith.index_cast %min3A : i32 to index
          %get3A_349 = memref.load %arg1[%get3A_348] : memref<4096xi32, #tpu.memory_space<smem>>
          %mul3A_350 = arith.constant 2048 : i32
          %mul3A_351 = arith.muli %add3A_133, %mul3A_350 : i32
          %sub3A_352 = arith.subi %get3A_349, %mul3A_351 : i32
          %get3A_353 = arith.index_cast %min3A : i32 to index
          %get3A_354 = memref.load %arg2[%get3A_353] : memref<4096xi32, #tpu.memory_space<smem>>
          %dma_start3A_355 = arith.constant 0 : i32
          %dma_start3A_356 = tpu.memref_slice %arg7[%get3A_354, %dma_start3A_355] : memref<4096x1000xf32, #tpu.memory_space<any>> -> memref<1x1000xf32, #tpu.memory_space<any>>
          %dma_start3A_357 = arith.constant 0 : i32
          %dma_start3A_358 = tpu.memref_slice %arg9[%sub3A_352, %dma_start3A_357] : memref<2048x1000xf32, #tpu.memory_space<vmem>> -> memref<1x1000xf32, #tpu.memory_space<vmem>>
          tpu.enqueue_dma source(%dma_start3A_358 : memref<1x1000xf32, #tpu.memory_space<vmem>>) target(%dma_start3A_356 : memref<1x1000xf32, #tpu.memory_space<any>>) target_semaphore(%arg11 : memref<!tpu.dma_semaphore, #tpu.memory_space<semaphore_mem>>)
          %dma_start3A_359 = arith.constant 0 : i32
          %dma_start3A_360 = tpu.memref_slice %arg8[%get3A_354, %dma_start3A_359] : memref<4096x64xf32, #tpu.memory_space<any>> -> memref<1x64xf32, #tpu.memory_space<any>>
          %dma_start3A_361 = arith.constant 0 : i32
          %dma_start3A_362 = tpu.memref_slice %arg10[%sub3A_352, %dma_start3A_361] : memref<2048x64xf32, #tpu.memory_space<vmem>> -> memref<1x64xf32, #tpu.memory_space<vmem>>
          tpu.enqueue_dma source(%dma_start3A_362 : memref<1x64xf32, #tpu.memory_space<vmem>>) target(%dma_start3A_360 : memref<1x64xf32, #tpu.memory_space<any>>) target_semaphore(%arg12 : memref<!tpu.dma_semaphore, #tpu.memory_space<semaphore_mem>>)
          %add3A_363 = arith.constant 1 : i32
          %add3A_364 = arith.addi %add3A_343, %add3A_363 : i32
          %sub3A_365 = arith.constant 1 : i32
          %sub3A_366 = arith.subi %get3A_232, %sub3A_365 : i32
          %min3A_367 = arith.minsi %add3A_364, %sub3A_366 : i32
          %get3A_368 = arith.index_cast %min3A_367 : i32 to index
          %get3A_369 = memref.load %arg1[%get3A_368] : memref<4096xi32, #tpu.memory_space<smem>>
          %mul3A_370 = arith.constant 2048 : i32
          %mul3A_371 = arith.muli %add3A_133, %mul3A_370 : i32
          %sub3A_372 = arith.subi %get3A_369, %mul3A_371 : i32
          %get3A_373 = arith.index_cast %min3A_367 : i32 to index
          %get3A_374 = memref.load %arg2[%get3A_373] : memref<4096xi32, #tpu.memory_space<smem>>
          %dma_start3A_375 = arith.constant 0 : i32
          %dma_start3A_376 = tpu.memref_slice %arg7[%get3A_374, %dma_start3A_375] : memref<4096x1000xf32, #tpu.memory_space<any>> -> memref<1x1000xf32, #tpu.memory_space<any>>
          %dma_start3A_377 = arith.constant 0 : i32
          %dma_start3A_378 = tpu.memref_slice %arg9[%sub3A_372, %dma_start3A_377] : memref<2048x1000xf32, #tpu.memory_space<vmem>> -> memref<1x1000xf32, #tpu.memory_space<vmem>>
          tpu.enqueue_dma source(%dma_start3A_378 : memref<1x1000xf32, #tpu.memory_space<vmem>>) target(%dma_start3A_376 : memref<1x1000xf32, #tpu.memory_space<any>>) target_semaphore(%arg11 : memref<!tpu.dma_semaphore, #tpu.memory_space<semaphore_mem>>)
          %dma_start3A_379 = arith.constant 0 : i32
          %dma_start3A_380 = tpu.memref_slice %arg8[%get3A_374, %dma_start3A_379] : memref<4096x64xf32, #tpu.memory_space<any>> -> memref<1x64xf32, #tpu.memory_space<any>>
          %dma_start3A_381 = arith.constant 0 : i32
          %dma_start3A_382 = tpu.memref_slice %arg10[%sub3A_372, %dma_start3A_381] : memref<2048x64xf32, #tpu.memory_space<vmem>> -> memref<1x64xf32, #tpu.memory_space<vmem>>
          tpu.enqueue_dma source(%dma_start3A_382 : memref<1x64xf32, #tpu.memory_space<vmem>>) target(%dma_start3A_380 : memref<1x64xf32, #tpu.memory_space<any>>) target_semaphore(%arg12 : memref<!tpu.dma_semaphore, #tpu.memory_space<semaphore_mem>>)
          %add3A_383 = arith.constant 2 : i32
          %add3A_384 = arith.addi %add3A_343, %add3A_383 : i32
          %sub3A_385 = arith.constant 1 : i32
          %sub3A_386 = arith.subi %get3A_232, %sub3A_385 : i32
          %min3A_387 = arith.minsi %add3A_384, %sub3A_386 : i32
          %get3A_388 = arith.index_cast %min3A_387 : i32 to index
          %get3A_389 = memref.load %arg1[%get3A_388] : memref<4096xi32, #tpu.memory_space<smem>>
          %mul3A_390 = arith.constant 2048 : i32
          %mul3A_391 = arith.muli %add3A_133, %mul3A_390 : i32
          %sub3A_392 = arith.subi %get3A_389, %mul3A_391 : i32
          %get3A_393 = arith.index_cast %min3A_387 : i32 to index
          %get3A_394 = memref.load %arg2[%get3A_393] : memref<4096xi32, #tpu.memory_space<smem>>
          %dma_start3A_395 = arith.constant 0 : i32
          %dma_start3A_396 = tpu.memref_slice %arg7[%get3A_394, %dma_start3A_395] : memref<4096x1000xf32, #tpu.memory_space<any>> -> memref<1x1000xf32, #tpu.memory_space<any>>
          %dma_start3A_397 = arith.constant 0 : i32
          %dma_start3A_398 = tpu.memref_slice %arg9[%sub3A_392, %dma_start3A_397] : memref<2048x1000xf32, #tpu.memory_space<vmem>> -> memref<1x1000xf32, #tpu.memory_space<vmem>>
          tpu.enqueue_dma source(%dma_start3A_398 : memref<1x1000xf32, #tpu.memory_space<vmem>>) target(%dma_start3A_396 : memref<1x1000xf32, #tpu.memory_space<any>>) target_semaphore(%arg11 : memref<!tpu.dma_semaphore, #tpu.memory_space<semaphore_mem>>)
          %dma_start3A_399 = arith.constant 0 : i32
          %dma_start3A_400 = tpu.memref_slice %arg8[%get3A_394, %dma_start3A_399] : memref<4096x64xf32, #tpu.memory_space<any>> -> memref<1x64xf32, #tpu.memory_space<any>>
          %dma_start3A_401 = arith.constant 0 : i32
          %dma_start3A_402 = tpu.memref_slice %arg10[%sub3A_392, %dma_start3A_401] : memref<2048x64xf32, #tpu.memory_space<vmem>> -> memref<1x64xf32, #tpu.memory_space<vmem>>
          tpu.enqueue_dma source(%dma_start3A_402 : memref<1x64xf32, #tpu.memory_space<vmem>>) target(%dma_start3A_400 : memref<1x64xf32, #tpu.memory_space<any>>) target_semaphore(%arg12 : memref<!tpu.dma_semaphore, #tpu.memory_space<semaphore_mem>>)
          %add3A_403 = arith.constant 3 : i32
          %add3A_404 = arith.addi %add3A_343, %add3A_403 : i32
          %sub3A_405 = arith.constant 1 : i32
          %sub3A_406 = arith.subi %get3A_232, %sub3A_405 : i32
          %min3A_407 = arith.minsi %add3A_404, %sub3A_406 : i32
          %get3A_408 = arith.index_cast %min3A_407 : i32 to index
          %get3A_409 = memref.load %arg1[%get3A_408] : memref<4096xi32, #tpu.memory_space<smem>>
          %mul3A_410 = arith.constant 2048 : i32
          %mul3A_411 = arith.muli %add3A_133, %mul3A_410 : i32
          %sub3A_412 = arith.subi %get3A_409, %mul3A_411 : i32
          %get3A_413 = arith.index_cast %min3A_407 : i32 to index
          %get3A_414 = memref.load %arg2[%get3A_413] : memref<4096xi32, #tpu.memory_space<smem>>
          %dma_start3A_415 = arith.constant 0 : i32
          %dma_start3A_416 = tpu.memref_slice %arg7[%get3A_414, %dma_start3A_415] : memref<4096x1000xf32, #tpu.memory_space<any>> -> memref<1x1000xf32, #tpu.memory_space<any>>
          %dma_start3A_417 = arith.constant 0 : i32
          %dma_start3A_418 = tpu.memref_slice %arg9[%sub3A_412, %dma_start3A_417] : memref<2048x1000xf32, #tpu.memory_space<vmem>> -> memref<1x1000xf32, #tpu.memory_space<vmem>>
          tpu.enqueue_dma source(%dma_start3A_418 : memref<1x1000xf32, #tpu.memory_space<vmem>>) target(%dma_start3A_416 : memref<1x1000xf32, #tpu.memory_space<any>>) target_semaphore(%arg11 : memref<!tpu.dma_semaphore, #tpu.memory_space<semaphore_mem>>)
          %dma_start3A_419 = arith.constant 0 : i32
          %dma_start3A_420 = tpu.memref_slice %arg8[%get3A_414, %dma_start3A_419] : memref<4096x64xf32, #tpu.memory_space<any>> -> memref<1x64xf32, #tpu.memory_space<any>>
          %dma_start3A_421 = arith.constant 0 : i32
          %dma_start3A_422 = tpu.memref_slice %arg10[%sub3A_412, %dma_start3A_421] : memref<2048x64xf32, #tpu.memory_space<vmem>> -> memref<1x64xf32, #tpu.memory_space<vmem>>
          tpu.enqueue_dma source(%dma_start3A_422 : memref<1x64xf32, #tpu.memory_space<vmem>>) target(%dma_start3A_420 : memref<1x64xf32, #tpu.memory_space<any>>) target_semaphore(%arg12 : memref<!tpu.dma_semaphore, #tpu.memory_space<semaphore_mem>>)
          %while3A_423 = arith.constant 0 : i32
          scf.yield %while3A_423 : i32
        }
        %lt3A = arith.constant 48 : i32
        %lt3A_269 = arith.cmpi slt, %add3A_133, %lt3A : i32
        %convert_element_type3A_270 = arith.extui %lt3A_269 : i1 to i32
        %cond3A_271 = arith.constant 0 : i32
        %cond3A_272 = arith.cmpi ne, %convert_element_type3A_270, %cond3A_271 : i32
        scf.if %cond3A_272 {
          %get3A_340 = arith.constant 0 : index
          %get3A_341 = arith.constant 0 : index
          %get3A_342 = vector.load %arg6[%get3A_340, %get3A_341] : memref<8x1000xf32, #tpu.memory_space<vmem>>, vector<8x1000xf32>
          %reshape3A = vector.shape_cast %transpose3A : vector<2048x1000xf32> to vector<256x8x1000xf32>
          %reduce_sum3A = arith.constant dense<0.000000e+00> : vector<8x1000xf32>
          %reduce_sum3A_343 = vector.multi_reduction <add>, %reshape3A, %reduce_sum3A [0] : vector<256x8x1000xf32> to vector<8x1000xf32>
          %add3A_344 = arith.addf %get3A_342, %reduce_sum3A_343 : vector<8x1000xf32>
          %swap3A_345 = arith.constant 0 : index
          %swap3A_346 = arith.constant 0 : index
          %swap3A_347 = vector.load %arg6[%swap3A_345, %swap3A_346] : memref<8x1000xf32, #tpu.memory_space<vmem>>, vector<8x1000xf32>
          tpu.vector_store %arg6[%swap3A_345, %swap3A_346], %add3A_344 {strides = array<i32>} : memref<8x1000xf32, #tpu.memory_space<vmem>>, vector<8x1000xf32>,
        } else {
        }
        %eq3A_273 = arith.constant 48 : i32
        %eq3A_274 = arith.cmpi eq, %add3A_133, %eq3A_273 : i32
        %convert_element_type3A_275 = arith.extui %eq3A_274 : i1 to i32
        %cond3A_276 = arith.constant 0 : i32
        %cond3A_277 = arith.cmpi ne, %convert_element_type3A_275, %cond3A_276 : i32
        scf.if %cond3A_277 {
          %mul3A = arith.constant 2048 : i32
          %mul3A_340 = arith.muli %add3A_133, %mul3A : i32
          %sub3A_341 = arith.constant 100000 : i32
          %sub3A_342 = arith.subi %sub3A_341, %mul3A_340 : i32
          %iota3A = tpu.iota {dimensions = array<i32: 0>} : vector<2048x1xi32>
          %lt3A_343 = vector.broadcast %sub3A_342 : i32 to vector<2048x1xi32>
          %lt3A_344 = arith.cmpi slt, %iota3A, %lt3A_343 : vector<2048x1xi32>
          %jit3A_345 = arith.constant 0.000000e+00 : f32
          %broadcast_in_dim3A_346 = vector.shape_cast %lt3A_344 : vector<2048x1xi1> to vector<2048x1xi1>
          %broadcast_in_dim3A_347 = vector.broadcast %broadcast_in_dim3A_346 : vector<2048x1xi1> to vector<2048x1000xi1>
          %broadcast_in_dim3A_348 = vector.broadcast %jit3A_345 : f32 to vector<2048x1000xf32>
          %select_n3A_349 = arith.select %broadcast_in_dim3A_347, %transpose3A, %broadcast_in_dim3A_348 : vector<2048x1000xi1>, vector<2048x1000xf32>
          %get3A_350 = arith.constant 0 : index
          %get3A_351 = arith.constant 0 : index
          %get3A_352 = vector.load %arg6[%get3A_350, %get3A_351] : memref<8x1000xf32, #tpu.memory_space<vmem>>, vector<8x1000xf32>
          %reshape3A = vector.shape_cast %select_n3A_349 : vector<2048x1000xf32> to vector<256x8x1000xf32>
          %reduce_sum3A = arith.constant dense<0.000000e+00> : vector<8x1000xf32>
          %reduce_sum3A_353 = vector.multi_reduction <add>, %reshape3A, %reduce_sum3A [0] : vector<256x8x1000xf32> to vector<8x1000xf32>
          %add3A_354 = arith.addf %get3A_352, %reduce_sum3A_353 : vector<8x1000xf32>
          %swap3A_355 = arith.constant 0 : index
          %swap3A_356 = arith.constant 0 : index
          %swap3A_357 = vector.load %arg6[%swap3A_355, %swap3A_356] : memref<8x1000xf32, #tpu.memory_space<vmem>>, vector<8x1000xf32>
          tpu.vector_store %arg6[%swap3A_355, %swap3A_356], %add3A_354 {strides = array<i32>} : memref<8x1000xf32, #tpu.memory_space<vmem>>, vector<8x1000xf32>,
          %while3A_358 = arith.constant 0 : i32
          %while3A_359 = arith.constant 0 : i32
          %while3A_360 = arith.subi %select_n3A_257, %while3A_358 : i32
          %while3A_361 = arith.addi %while3A_358, %while3A_360 : i32
          %while3A_362 = arith.constant 1 : i32
          %while3A_363 = arith.divsi %while3A_360, %while3A_362 : i32
          %while3A_364 = arith.muli %while3A_363, %while3A_362 : i32
          %while3A_365 = arith.addi %while3A_358, %while3A_364 : i32
          %while3A_366 = arith.constant 1 : i32
          %while3A_367 = scf.for %while3A_370 = %while3A_358 to %while3A_365 step %while3A_366 iter_args(%while3A_371 = %while3A_359) -> (i32)  : i32 {
            %dma_wait3A = arith.constant 0 : i32
            %dma_wait3A_372 = arith.constant 0 : i32
            %dma_wait3A_373 = tpu.memref_slice %arg7[%dma_wait3A, %dma_wait3A_372] : memref<4096x1000xf32, #tpu.memory_space<any>> -> memref<1x1000xf32, #tpu.memory_space<any>>
            %dma_wait3A_374 = arith.constant 0 : i32
            %dma_wait3A_375 = arith.constant 0 : i32
            %dma_wait3A_376 = tpu.memref_slice %arg9[%dma_wait3A_374, %dma_wait3A_375] : memref<2048x1000xf32, #tpu.memory_space<vmem>> -> memref<1x1000xf32, #tpu.memory_space<vmem>>
            tpu.wait_dma2 semaphore(%arg11 : memref<!tpu.dma_semaphore, #tpu.memory_space<semaphore_mem>>) src(%dma_wait3A_376 : memref<1x1000xf32, #tpu.memory_space<vmem>>) dst(%dma_wait3A_373 : memref<1x1000xf32, #tpu.memory_space<any>>)
            %dma_wait3A_377 = arith.constant 0 : i32
            %dma_wait3A_378 = arith.constant 0 : i32
            %dma_wait3A_379 = tpu.memref_slice %arg8[%dma_wait3A_377, %dma_wait3A_378] : memref<4096x64xf32, #tpu.memory_space<any>> -> memref<1x64xf32, #tpu.memory_space<any>>
            %dma_wait3A_380 = arith.constant 0 : i32
            %dma_wait3A_381 = arith.constant 0 : i32
            %dma_wait3A_382 = tpu.memref_slice %arg10[%dma_wait3A_380, %dma_wait3A_381] : memref<2048x64xf32, #tpu.memory_space<vmem>> -> memref<1x64xf32, #tpu.memory_space<vmem>>
            tpu.wait_dma2 semaphore(%arg12 : memref<!tpu.dma_semaphore, #tpu.memory_space<semaphore_mem>>) src(%dma_wait3A_382 : memref<1x64xf32, #tpu.memory_space<vmem>>) dst(%dma_wait3A_379 : memref<1x64xf32, #tpu.memory_space<any>>)
            %dma_wait3A_383 = arith.constant 0 : i32
            %dma_wait3A_384 = arith.constant 0 : i32
            %dma_wait3A_385 = tpu.memref_slice %arg7[%dma_wait3A_383, %dma_wait3A_384] : memref<4096x1000xf32, #tpu.memory_space<any>> -> memref<1x1000xf32, #tpu.memory_space<any>>
            %dma_wait3A_386 = arith.constant 0 : i32
            %dma_wait3A_387 = arith.constant 0 : i32
            %dma_wait3A_388 = tpu.memref_slice %arg9[%dma_wait3A_386, %dma_wait3A_387] : memref<2048x1000xf32, #tpu.memory_space<vmem>> -> memref<1x1000xf32, #tpu.memory_space<vmem>>
            tpu.wait_dma2 semaphore(%arg11 : memref<!tpu.dma_semaphore, #tpu.memory_space<semaphore_mem>>) src(%dma_wait3A_388 : memref<1x1000xf32, #tpu.memory_space<vmem>>) dst(%dma_wait3A_385 : memref<1x1000xf32, #tpu.memory_space<any>>)
            %dma_wait3A_389 = arith.constant 0 : i32
            %dma_wait3A_390 = arith.constant 0 : i32
            %dma_wait3A_391 = tpu.memref_slice %arg8[%dma_wait3A_389, %dma_wait3A_390] : memref<4096x64xf32, #tpu.memory_space<any>> -> memref<1x64xf32, #tpu.memory_space<any>>
            %dma_wait3A_392 = arith.constant 0 : i32
            %dma_wait3A_393 = arith.constant 0 : i32
            %dma_wait3A_394 = tpu.memref_slice %arg10[%dma_wait3A_392, %dma_wait3A_393] : memref<2048x64xf32, #tpu.memory_space<vmem>> -> memref<1x64xf32, #tpu.memory_space<vmem>>
            tpu.wait_dma2 semaphore(%arg12 : memref<!tpu.dma_semaphore, #tpu.memory_space<semaphore_mem>>) src(%dma_wait3A_394 : memref<1x64xf32, #tpu.memory_space<vmem>>) dst(%dma_wait3A_391 : memref<1x64xf32, #tpu.memory_space<any>>)
            %dma_wait3A_395 = arith.constant 0 : i32
            %dma_wait3A_396 = arith.constant 0 : i32
            %dma_wait3A_397 = tpu.memref_slice %arg7[%dma_wait3A_395, %dma_wait3A_396] : memref<4096x1000xf32, #tpu.memory_space<any>> -> memref<1x1000xf32, #tpu.memory_space<any>>
            %dma_wait3A_398 = arith.constant 0 : i32
            %dma_wait3A_399 = arith.constant 0 : i32
            %dma_wait3A_400 = tpu.memref_slice %arg9[%dma_wait3A_398, %dma_wait3A_399] : memref<2048x1000xf32, #tpu.memory_space<vmem>> -> memref<1x1000xf32, #tpu.memory_space<vmem>>
            tpu.wait_dma2 semaphore(%arg11 : memref<!tpu.dma_semaphore, #tpu.memory_space<semaphore_mem>>) src(%dma_wait3A_400 : memref<1x1000xf32, #tpu.memory_space<vmem>>) dst(%dma_wait3A_397 : memref<1x1000xf32, #tpu.memory_space<any>>)
            %dma_wait3A_401 = arith.constant 0 : i32
            %dma_wait3A_402 = arith.constant 0 : i32
            %dma_wait3A_403 = tpu.memref_slice %arg8[%dma_wait3A_401, %dma_wait3A_402] : memref<4096x64xf32, #tpu.memory_space<any>> -> memref<1x64xf32, #tpu.memory_space<any>>
            %dma_wait3A_404 = arith.constant 0 : i32
            %dma_wait3A_405 = arith.constant 0 : i32
            %dma_wait3A_406 = tpu.memref_slice %arg10[%dma_wait3A_404, %dma_wait3A_405] : memref<2048x64xf32, #tpu.memory_space<vmem>> -> memref<1x64xf32, #tpu.memory_space<vmem>>
            tpu.wait_dma2 semaphore(%arg12 : memref<!tpu.dma_semaphore, #tpu.memory_space<semaphore_mem>>) src(%dma_wait3A_406 : memref<1x64xf32, #tpu.memory_space<vmem>>) dst(%dma_wait3A_403 : memref<1x64xf32, #tpu.memory_space<any>>)
            %dma_wait3A_407 = arith.constant 0 : i32
            %dma_wait3A_408 = arith.constant 0 : i32
            %dma_wait3A_409 = tpu.memref_slice %arg7[%dma_wait3A_407, %dma_wait3A_408] : memref<4096x1000xf32, #tpu.memory_space<any>> -> memref<1x1000xf32, #tpu.memory_space<any>>
            %dma_wait3A_410 = arith.constant 0 : i32
            %dma_wait3A_411 = arith.constant 0 : i32
            %dma_wait3A_412 = tpu.memref_slice %arg9[%dma_wait3A_410, %dma_wait3A_411] : memref<2048x1000xf32, #tpu.memory_space<vmem>> -> memref<1x1000xf32, #tpu.memory_space<vmem>>
            tpu.wait_dma2 semaphore(%arg11 : memref<!tpu.dma_semaphore, #tpu.memory_space<semaphore_mem>>) src(%dma_wait3A_412 : memref<1x1000xf32, #tpu.memory_space<vmem>>) dst(%dma_wait3A_409 : memref<1x1000xf32, #tpu.memory_space<any>>)
            %dma_wait3A_413 = arith.constant 0 : i32
            %dma_wait3A_414 = arith.constant 0 : i32
            %dma_wait3A_415 = tpu.memref_slice %arg8[%dma_wait3A_413, %dma_wait3A_414] : memref<4096x64xf32, #tpu.memory_space<any>> -> memref<1x64xf32, #tpu.memory_space<any>>
            %dma_wait3A_416 = arith.constant 0 : i32
            %dma_wait3A_417 = arith.constant 0 : i32
            %dma_wait3A_418 = tpu.memref_slice %arg10[%dma_wait3A_416, %dma_wait3A_417] : memref<2048x64xf32, #tpu.memory_space<vmem>> -> memref<1x64xf32, #tpu.memory_space<vmem>>
            tpu.wait_dma2 semaphore(%arg12 : memref<!tpu.dma_semaphore, #tpu.memory_space<semaphore_mem>>) src(%dma_wait3A_418 : memref<1x64xf32, #tpu.memory_space<vmem>>) dst(%dma_wait3A_415 : memref<1x64xf32, #tpu.memory_space<any>>)
            %while3A_419 = arith.constant 0 : i32
            scf.yield %while3A_419 : i32
          }
          %while3A_368 = arith.constant 1 : i32
          %while3A_369 = scf.for %while3A_370 = %while3A_365 to %while3A_361 step %while3A_368 iter_args(%while3A_371 = %while3A_367) -> (i32)  : i32 {
            %dma_wait3A = arith.constant 0 : i32
            %dma_wait3A_372 = arith.constant 0 : i32
            %dma_wait3A_373 = tpu.memref_slice %arg7[%dma_wait3A, %dma_wait3A_372] : memref<4096x1000xf32, #tpu.memory_space<any>> -> memref<1x1000xf32, #tpu.memory_space<any>>
            %dma_wait3A_374 = arith.constant 0 : i32
            %dma_wait3A_375 = arith.constant 0 : i32
            %dma_wait3A_376 = tpu.memref_slice %arg9[%dma_wait3A_374, %dma_wait3A_375] : memref<2048x1000xf32, #tpu.memory_space<vmem>> -> memref<1x1000xf32, #tpu.memory_space<vmem>>
            tpu.wait_dma2 semaphore(%arg11 : memref<!tpu.dma_semaphore, #tpu.memory_space<semaphore_mem>>) src(%dma_wait3A_376 : memref<1x1000xf32, #tpu.memory_space<vmem>>) dst(%dma_wait3A_373 : memref<1x1000xf32, #tpu.memory_space<any>>)
            %dma_wait3A_377 = arith.constant 0 : i32
            %dma_wait3A_378 = arith.constant 0 : i32
            %dma_wait3A_379 = tpu.memref_slice %arg8[%dma_wait3A_377, %dma_wait3A_378] : memref<4096x64xf32, #tpu.memory_space<any>> -> memref<1x64xf32, #tpu.memory_space<any>>
            %dma_wait3A_380 = arith.constant 0 : i32
            %dma_wait3A_381 = arith.constant 0 : i32
            %dma_wait3A_382 = tpu.memref_slice %arg10[%dma_wait3A_380, %dma_wait3A_381] : memref<2048x64xf32, #tpu.memory_space<vmem>> -> memref<1x64xf32, #tpu.memory_space<vmem>>
            tpu.wait_dma2 semaphore(%arg12 : memref<!tpu.dma_semaphore, #tpu.memory_space<semaphore_mem>>) src(%dma_wait3A_382 : memref<1x64xf32, #tpu.memory_space<vmem>>) dst(%dma_wait3A_379 : memref<1x64xf32, #tpu.memory_space<any>>)
            %dma_wait3A_383 = arith.constant 0 : i32
            %dma_wait3A_384 = arith.constant 0 : i32
            %dma_wait3A_385 = tpu.memref_slice %arg7[%dma_wait3A_383, %dma_wait3A_384] : memref<4096x1000xf32, #tpu.memory_space<any>> -> memref<1x1000xf32, #tpu.memory_space<any>>
            %dma_wait3A_386 = arith.constant 0 : i32
            %dma_wait3A_387 = arith.constant 0 : i32
            %dma_wait3A_388 = tpu.memref_slice %arg9[%dma_wait3A_386, %dma_wait3A_387] : memref<2048x1000xf32, #tpu.memory_space<vmem>> -> memref<1x1000xf32, #tpu.memory_space<vmem>>
            tpu.wait_dma2 semaphore(%arg11 : memref<!tpu.dma_semaphore, #tpu.memory_space<semaphore_mem>>) src(%dma_wait3A_388 : memref<1x1000xf32, #tpu.memory_space<vmem>>) dst(%dma_wait3A_385 : memref<1x1000xf32, #tpu.memory_space<any>>)
            %dma_wait3A_389 = arith.constant 0 : i32
            %dma_wait3A_390 = arith.constant 0 : i32
            %dma_wait3A_391 = tpu.memref_slice %arg8[%dma_wait3A_389, %dma_wait3A_390] : memref<4096x64xf32, #tpu.memory_space<any>> -> memref<1x64xf32, #tpu.memory_space<any>>
            %dma_wait3A_392 = arith.constant 0 : i32
            %dma_wait3A_393 = arith.constant 0 : i32
            %dma_wait3A_394 = tpu.memref_slice %arg10[%dma_wait3A_392, %dma_wait3A_393] : memref<2048x64xf32, #tpu.memory_space<vmem>> -> memref<1x64xf32, #tpu.memory_space<vmem>>
            tpu.wait_dma2 semaphore(%arg12 : memref<!tpu.dma_semaphore, #tpu.memory_space<semaphore_mem>>) src(%dma_wait3A_394 : memref<1x64xf32, #tpu.memory_space<vmem>>) dst(%dma_wait3A_391 : memref<1x64xf32, #tpu.memory_space<any>>)
            %dma_wait3A_395 = arith.constant 0 : i32
            %dma_wait3A_396 = arith.constant 0 : i32
            %dma_wait3A_397 = tpu.memref_slice %arg7[%dma_wait3A_395, %dma_wait3A_396] : memref<4096x1000xf32, #tpu.memory_space<any>> -> memref<1x1000xf32, #tpu.memory_space<any>>
            %dma_wait3A_398 = arith.constant 0 : i32
            %dma_wait3A_399 = arith.constant 0 : i32
            %dma_wait3A_400 = tpu.memref_slice %arg9[%dma_wait3A_398, %dma_wait3A_399] : memref<2048x1000xf32, #tpu.memory_space<vmem>> -> memref<1x1000xf32, #tpu.memory_space<vmem>>
            tpu.wait_dma2 semaphore(%arg11 : memref<!tpu.dma_semaphore, #tpu.memory_space<semaphore_mem>>) src(%dma_wait3A_400 : memref<1x1000xf32, #tpu.memory_space<vmem>>) dst(%dma_wait3A_397 : memref<1x1000xf32, #tpu.memory_space<any>>)
            %dma_wait3A_401 = arith.constant 0 : i32
            %dma_wait3A_402 = arith.constant 0 : i32
            %dma_wait3A_403 = tpu.memref_slice %arg8[%dma_wait3A_401, %dma_wait3A_402] : memref<4096x64xf32, #tpu.memory_space<any>> -> memref<1x64xf32, #tpu.memory_space<any>>
            %dma_wait3A_404 = arith.constant 0 : i32
            %dma_wait3A_405 = arith.constant 0 : i32
            %dma_wait3A_406 = tpu.memref_slice %arg10[%dma_wait3A_404, %dma_wait3A_405] : memref<2048x64xf32, #tpu.memory_space<vmem>> -> memref<1x64xf32, #tpu.memory_space<vmem>>
            tpu.wait_dma2 semaphore(%arg12 : memref<!tpu.dma_semaphore, #tpu.memory_space<semaphore_mem>>) src(%dma_wait3A_406 : memref<1x64xf32, #tpu.memory_space<vmem>>) dst(%dma_wait3A_403 : memref<1x64xf32, #tpu.memory_space<any>>)
            %dma_wait3A_407 = arith.constant 0 : i32
            %dma_wait3A_408 = arith.constant 0 : i32
            %dma_wait3A_409 = tpu.memref_slice %arg7[%dma_wait3A_407, %dma_wait3A_408] : memref<4096x1000xf32, #tpu.memory_space<any>> -> memref<1x1000xf32, #tpu.memory_space<any>>
            %dma_wait3A_410 = arith.constant 0 : i32
            %dma_wait3A_411 = arith.constant 0 : i32
            %dma_wait3A_412 = tpu.memref_slice %arg9[%dma_wait3A_410, %dma_wait3A_411] : memref<2048x1000xf32, #tpu.memory_space<vmem>> -> memref<1x1000xf32, #tpu.memory_space<vmem>>
            tpu.wait_dma2 semaphore(%arg11 : memref<!tpu.dma_semaphore, #tpu.memory_space<semaphore_mem>>) src(%dma_wait3A_412 : memref<1x1000xf32, #tpu.memory_space<vmem>>) dst(%dma_wait3A_409 : memref<1x1000xf32, #tpu.memory_space<any>>)
            %dma_wait3A_413 = arith.constant 0 : i32
            %dma_wait3A_414 = arith.constant 0 : i32
            %dma_wait3A_415 = tpu.memref_slice %arg8[%dma_wait3A_413, %dma_wait3A_414] : memref<4096x64xf32, #tpu.memory_space<any>> -> memref<1x64xf32, #tpu.memory_space<any>>
            %dma_wait3A_416 = arith.constant 0 : i32
            %dma_wait3A_417 = arith.constant 0 : i32
            %dma_wait3A_418 = tpu.memref_slice %arg10[%dma_wait3A_416, %dma_wait3A_417] : memref<2048x64xf32, #tpu.memory_space<vmem>> -> memref<1x64xf32, #tpu.memory_space<vmem>>
            tpu.wait_dma2 semaphore(%arg12 : memref<!tpu.dma_semaphore, #tpu.memory_space<semaphore_mem>>) src(%dma_wait3A_418 : memref<1x64xf32, #tpu.memory_space<vmem>>) dst(%dma_wait3A_415 : memref<1x64xf32, #tpu.memory_space<any>>)
            %while3A_419 = arith.constant 0 : i32
            scf.yield %while3A_419 : i32
          }
        } else {
        }
        "tpu.trace_stop"() : () -> ()
        %ne3A_278 = arith.cmpi ne, %add3A_133, %add3A_153 : i32
        %or3A_279 = arith.constant false
        %or3A_280 = arith.ori %or3A_279, %ne3A_278 : i1
        %or3A_281 = arith.ori %or3A_280, %eq3A_131 : i1
        %convert_element_type3A_282 = arith.extui %or3A_281 : i1 to i32
        %cond3A_283 = arith.constant 0 : i32
        %cond3A_284 = arith.cmpi ne, %convert_element_type3A_282, %cond3A_283 : i32
        scf.if %cond3A_284 {
        } else {
        }
        %and3A_285 = arith.constant false
        %and3A_286 = arith.andi %or3A_281, %and3A_285 : i1
        %ne3A_287 = arith.cmpi ne, %add3A_133, %add3A_153 : i32
        %or3A_288 = arith.constant false
        %or3A_289 = arith.ori %or3A_288, %ne3A_287 : i1
        %or3A_290 = arith.ori %or3A_289, %eq3A_131 : i1
        %convert_element_type3A_291 = arith.extui %or3A_290 : i1 to i32
        %cond3A_292 = arith.constant 0 : i32
        %cond3A_293 = arith.cmpi ne, %convert_element_type3A_291, %cond3A_292 : i32
        scf.if %cond3A_293 {
        } else {
        }
        %and3A_294 = arith.constant false
        %and3A_295 = arith.andi %or3A_290, %and3A_294 : i1
        %ne3A_296 = arith.cmpi ne, %add3A_133, %add3A_143 : i32
        %or3A_297 = arith.constant false
        %or3A_298 = arith.ori %or3A_297, %ne3A_296 : i1
        %not3A_299 = arith.constant true
        %not3A_300 = arith.xori %eq3A_129, %not3A_299 : i1
        %and3A_301 = arith.andi %or3A_298, %not3A_300 : i1
        %convert_element_type3A_302 = arith.extui %and3A_301 : i1 to i32
        %cond3A_303 = arith.constant 0 : i32
        %cond3A_304 = arith.cmpi ne, %convert_element_type3A_302, %cond3A_303 : i32
        scf.if %cond3A_304 {
        } else {
        }
        %and3A_305 = arith.constant false
        %and3A_306 = arith.andi %and3A_301, %and3A_305 : i1
        %ne3A_307 = arith.cmpi ne, %add3A_133, %add3A_143 : i32
        %or3A_308 = arith.constant false
        %or3A_309 = arith.ori %or3A_308, %ne3A_307 : i1
        %not3A_310 = arith.constant true
        %not3A_311 = arith.xori %eq3A_129, %not3A_310 : i1
        %and3A_312 = arith.andi %or3A_309, %not3A_311 : i1
        %convert_element_type3A_313 = arith.extui %and3A_312 : i1 to i32
        %cond3A_314 = arith.constant 0 : i32
        %cond3A_315 = arith.cmpi ne, %convert_element_type3A_313, %cond3A_314 : i32
        scf.if %cond3A_315 {
        } else {
        }
        %and3A_316 = arith.constant false
        %and3A_317 = arith.andi %and3A_312, %and3A_316 : i1
        %ne3A_318 = arith.cmpi ne, %add3A_133, %add3A_153 : i32
        %or3A_319 = arith.constant false
        %or3A_320 = arith.ori %or3A_319, %ne3A_318 : i1
        %or3A_321 = arith.ori %or3A_320, %eq3A_131 : i1
        %add3A_322 = arith.constant 1 : i32
        %add3A_323 = arith.addi %scan3A_124, %add3A_322 : i32
        %select_n3A_324 = arith.select %or3A_321, %add3A_323, %scan3A_124 : i32
        %ne3A_325 = arith.cmpi ne, %add3A_133, %add3A_153 : i32
        %or3A_326 = arith.constant false
        %or3A_327 = arith.ori %or3A_326, %ne3A_325 : i1
        %or3A_328 = arith.ori %or3A_327, %eq3A_131 : i1
        %add3A_329 = arith.constant 1 : i32
        %add3A_330 = arith.addi %scan3A_126, %add3A_329 : i32
        %select_n3A_331 = arith.select %or3A_328, %add3A_330, %scan3A_126 : i32
        %add3A_332 = arith.constant 1 : i32
        %add3A_333 = arith.addi %scan3A_127, %add3A_332 : i32
        %select_n3A_334 = arith.constant true
        %select_n3A_335 = arith.select %select_n3A_334, %add3A_333, %scan3A_127 : i32
        %eq3A_336 = arith.constant 49 : i32
        %eq3A_337 = arith.cmpi eq, %select_n3A_335, %eq3A_336 : i32
        %select_n3A_338 = arith.constant 0 : i32
        %select_n3A_339 = arith.select %eq3A_337, %select_n3A_338, %select_n3A_335 : i32
        scf.yield %select_n3A_172, %select_n3A_324, %select_n3A_188, %select_n3A_331, %select_n3A_339 : i32, i32, i32, i32, i32
      }
      %scan3A_82 = arith.constant 49 : i32
      %sub3A = arith.constant 1 : i32
      %sub3A_83 = arith.subi %scan3A_81#4, %sub3A : i32
      %select_n3A_84 = arith.constant true
      %select_n3A_85 = arith.select %select_n3A_84, %sub3A_83, %scan3A_81#4 : i32
      %eq3A_86 = arith.constant -1 : i32
      %eq3A_87 = arith.cmpi eq, %select_n3A_85, %eq3A_86 : i32
      %select_n3A_88 = arith.constant 48 : i32
      %select_n3A_89 = arith.select %eq3A_87, %select_n3A_88, %select_n3A_85 : i32
      %add3A_90 = arith.constant 0 : i32
      %add3A_91 = arith.addi %select_n3A_89, %add3A_90 : i32
      %sub3A_92 = arith.constant 1 : i32
      %sub3A_93 = arith.subi %select_n3A_89, %sub3A_92 : i32
      %select_n3A_94 = arith.constant true
      %select_n3A_95 = arith.select %select_n3A_94, %sub3A_93, %select_n3A_89 : i32
      %eq3A_96 = arith.constant -1 : i32
      %eq3A_97 = arith.cmpi eq, %select_n3A_95, %eq3A_96 : i32
      %select_n3A_98 = arith.constant 48 : i32
      %select_n3A_99 = arith.select %eq3A_97, %select_n3A_98, %select_n3A_95 : i32
      %add3A_100 = arith.constant 0 : i32
      %add3A_101 = arith.addi %select_n3A_99, %add3A_100 : i32
      %add3A_102 = arith.constant 1 : i32
      %add3A_103 = arith.addi %select_n3A_89, %add3A_102 : i32
      %select_n3A_104 = arith.constant true
      %select_n3A_105 = arith.select %select_n3A_104, %add3A_103, %select_n3A_89 : i32
      %eq3A_106 = arith.constant 49 : i32
      %eq3A_107 = arith.cmpi eq, %select_n3A_105, %eq3A_106 : i32
      %select_n3A_108 = arith.constant 0 : i32
      %select_n3A_109 = arith.select %eq3A_107, %select_n3A_108, %select_n3A_105 : i32
      %add3A_110 = arith.constant 0 : i32
      %add3A_111 = arith.addi %select_n3A_109, %add3A_110 : i32
      %add3A_112 = arith.constant 1 : i32
      %add3A_113 = arith.addi %select_n3A_109, %add3A_112 : i32
      %select_n3A_114 = arith.constant true
      %select_n3A_115 = arith.select %select_n3A_114, %add3A_113, %select_n3A_109 : i32
      %eq3A_116 = arith.constant 49 : i32
      %eq3A_117 = arith.cmpi eq, %select_n3A_115, %eq3A_116 : i32
      %select_n3A_118 = arith.constant 0 : i32
      %select_n3A_119 = arith.select %eq3A_117, %select_n3A_118, %select_n3A_115 : i32
      %add3A_120 = arith.constant 0 : i32
      %add3A_121 = arith.addi %select_n3A_119, %add3A_120 : i32
      tpu.yield
    }) : () -> ()
    return
  }
  func.func @transform_2(%arg0: i32, %arg1: memref<4096xi32, #tpu.memory_space<smem>>, %arg2: memref<4096xi32, #tpu.memory_space<smem>>, %arg3: memref<50xi32, #tpu.memory_space<smem>>) -> (i32, i32) {
    %c0_i32 = arith.constant 0 : i32
    %c0_i32_0 = arith.constant 0 : i32
    %c0_i32_1 = arith.constant 0 : i32
    return %c0_i32, %c0_i32_0 : i32, i32
  }
}

module attributes {stable_mosaic.version = 14 : i64} {
  func.func @_dense_body(%arg0: i32, %arg1: memref<256x64xf32, #tpu.memory_space<vmem>>, %arg2: memref<20x256x128xf32, #tpu.memory_space<vmem>>, %arg3: memref<256x1000xf32, #tpu.memory_space<vmem>>, %arg4: memref<256x1xf32, #tpu.memory_space<vmem>>, %arg5: memref<8x1000xf32, #tpu.memory_space<vmem>>, %arg6: memref<1000x64xf32, #tpu.memory_space<vmem>>, %arg7: memref<128x192xf32, #tpu.memory_space<vmem>>, %arg8: memref<64x192xf32, #tpu.memory_space<vmem>>, %arg9: memref<1x192xf32, #tpu.memory_space<vmem>>, %arg10: memref<64x64xf32, #tpu.memory_space<vmem>>, %arg11: memref<1000x256xf32, #tpu.memory_space<vmem>>, %arg12: memref<256x64xf32, #tpu.memory_space<vmem>>, %arg13: memref<20x64x256xf32, #tpu.memory_space<vmem>>) attributes {dimension_semantics = [#tpu.dimension_semantics<arbitrary>], iteration_bounds = array<i64: 16>, scalar_prefetch = 0 : i64, scratch_operands = 0 : i64, tpu.core_type = #tpu.core_type<tc>, window_params = [{transform_indices = @transform_0, window_bounds = array<i64: 256, 64>}, {transform_indices = @transform_1, window_bounds = array<i64: 20, 256, 128>}, {transform_indices = @transform_2, window_bounds = array<i64: 256, 1000>}, {transform_indices = @transform_3, window_bounds = array<i64: 256, 1>}, {pipeline_mode = #tpu.pipeline_mode<synchronous>, transform_indices = @transform_4, window_bounds = array<i64: 8, 1000>}, {pipeline_mode = #tpu.pipeline_mode<synchronous>, transform_indices = @transform_5, window_bounds = array<i64: 1000, 64>}, {pipeline_mode = #tpu.pipeline_mode<synchronous>, transform_indices = @transform_6, window_bounds = array<i64: 128, 192>}, {pipeline_mode = #tpu.pipeline_mode<synchronous>, transform_indices = @transform_7, window_bounds = array<i64: 64, 192>}, {pipeline_mode = #tpu.pipeline_mode<synchronous>, transform_indices = @transform_8, window_bounds = array<i64: 1, 192>}, {pipeline_mode = #tpu.pipeline_mode<synchronous>, transform_indices = @transform_9, window_bounds = array<i64: 64, 64>}, {transform_indices = @transform_10, window_bounds = array<i64: 1000, 256>}, {transform_indices = @transform_11, window_bounds = array<i64: 256, 64>}, {transform_indices = @transform_12, window_bounds = array<i64: 20, 64, 256>}]} {
    %get3A = arith.constant 0 : index
    %get3A_0 = arith.constant 0 : index
    %get3A_1 = vector.load %arg1[%get3A, %get3A_0] : memref<256x64xf32, #tpu.memory_space<vmem>>, vector<256x64xf32>
    %get3A_2 = arith.constant 0 : index
    %get3A_3 = arith.constant 0 : index
    %get3A_4 = vector.load %arg4[%get3A_2, %get3A_3] : memref<256x1xf32, #tpu.memory_space<vmem>>, vector<256x1xf32>
    %max3A = arith.constant 1.000000e+00 : f32
    %max3A_5 = vector.broadcast %max3A : f32 to vector<256x1xf32>
    %max3A_6 = arith.maximumf %get3A_4, %max3A_5 : vector<256x1xf32>
    %get3A_7 = arith.constant 0 : index
    %get3A_8 = arith.constant 0 : index
    %get3A_9 = arith.constant 0 : index
    %get3A_10 = vector.load %arg2[%get3A_7, %get3A_8, %get3A_9] : memref<20x256x128xf32, #tpu.memory_space<vmem>>, vector<20x256x128xf32>
    %reshape3A = vector.shape_cast %get3A_10 : vector<20x256x128xf32> to vector<5120x128xf32>
    %slice3A = vector.extract_strided_slice %reshape3A {offsets = [0, 0], sizes = [5120, 64], strides = [1, 1]} : vector<5120x128xf32> to vector<5120x64xf32>
    %get3A_11 = arith.constant 0 : index
    %get3A_12 = arith.constant 0 : index
    %get3A_13 = vector.load %arg7[%get3A_11, %get3A_12] : memref<128x192xf32, #tpu.memory_space<vmem>>, vector<128x192xf32>
    %get3A_14 = arith.constant 0 : index
    %get3A_15 = arith.constant 0 : index
    %get3A_16 = vector.load %arg8[%get3A_14, %get3A_15] : memref<64x192xf32, #tpu.memory_space<vmem>>, vector<64x192xf32>
    %get3A_17 = arith.constant 0 : index
    %get3A_18 = arith.constant 0 : index
    %get3A_19 = vector.load %arg9[%get3A_17, %get3A_18] : memref<1x192xf32, #tpu.memory_space<vmem>>, vector<1x192xf32>
    %broadcast_in_dim3A = arith.constant 0.000000e+00 : f32
    %broadcast_in_dim3A_20 = vector.broadcast %broadcast_in_dim3A : f32 to vector<256x64xf32>
    %gt3A = arith.constant 0.000000e+00 : f32
    %gt3A_21 = vector.broadcast %gt3A : f32 to vector<256x1xf32>
    %gt3A_22 = arith.cmpf ogt, %max3A_6, %gt3A_21 : vector<256x1xf32>
    %convert_element_type3A = arith.extui %gt3A_22 : vector<256x1xi1> to vector<256x1xi32>
    %convert_element_type3A_23 = arith.sitofp %convert_element_type3A : vector<256x1xi32> to vector<256x1xf32>
    %slice3A_24 = vector.extract_strided_slice %slice3A {offsets = [0, 0], sizes = [256, 64], strides = [1, 1]} : vector<5120x64xf32> to vector<256x64xf32>
    %mul3A = vector.broadcast %convert_element_type3A_23 : vector<256x1xf32> to vector<256x64xf32>
    %mul3A_25 = arith.mulf %slice3A_24, %mul3A : vector<256x64xf32>
    %add3A = arith.addf %broadcast_in_dim3A_20, %mul3A_25 : vector<256x64xf32>
    %gt3A_26 = arith.constant 1.000000e+00 : f32
    %gt3A_27 = vector.broadcast %gt3A_26 : f32 to vector<256x1xf32>
    %gt3A_28 = arith.cmpf ogt, %max3A_6, %gt3A_27 : vector<256x1xf32>
    %convert_element_type3A_29 = arith.extui %gt3A_28 : vector<256x1xi1> to vector<256x1xi32>
    %convert_element_type3A_30 = arith.sitofp %convert_element_type3A_29 : vector<256x1xi32> to vector<256x1xf32>
    %slice3A_31 = vector.extract_strided_slice %slice3A {offsets = [256, 0], sizes = [256, 64], strides = [1, 1]} : vector<5120x64xf32> to vector<256x64xf32>
    %mul3A_32 = vector.broadcast %convert_element_type3A_30 : vector<256x1xf32> to vector<256x64xf32>
    %mul3A_33 = arith.mulf %slice3A_31, %mul3A_32 : vector<256x64xf32>
    %add3A_34 = arith.addf %add3A, %mul3A_33 : vector<256x64xf32>
    %gt3A_35 = arith.constant 2.000000e+00 : f32
    %gt3A_36 = vector.broadcast %gt3A_35 : f32 to vector<256x1xf32>
    %gt3A_37 = arith.cmpf ogt, %max3A_6, %gt3A_36 : vector<256x1xf32>
    %convert_element_type3A_38 = arith.extui %gt3A_37 : vector<256x1xi1> to vector<256x1xi32>
    %convert_element_type3A_39 = arith.sitofp %convert_element_type3A_38 : vector<256x1xi32> to vector<256x1xf32>
    %slice3A_40 = vector.extract_strided_slice %slice3A {offsets = [512, 0], sizes = [256, 64], strides = [1, 1]} : vector<5120x64xf32> to vector<256x64xf32>
    %mul3A_41 = vector.broadcast %convert_element_type3A_39 : vector<256x1xf32> to vector<256x64xf32>
    %mul3A_42 = arith.mulf %slice3A_40, %mul3A_41 : vector<256x64xf32>
    %add3A_43 = arith.addf %add3A_34, %mul3A_42 : vector<256x64xf32>
    %gt3A_44 = arith.constant 3.000000e+00 : f32
    %gt3A_45 = vector.broadcast %gt3A_44 : f32 to vector<256x1xf32>
    %gt3A_46 = arith.cmpf ogt, %max3A_6, %gt3A_45 : vector<256x1xf32>
    %convert_element_type3A_47 = arith.extui %gt3A_46 : vector<256x1xi1> to vector<256x1xi32>
    %convert_element_type3A_48 = arith.sitofp %convert_element_type3A_47 : vector<256x1xi32> to vector<256x1xf32>
    %slice3A_49 = vector.extract_strided_slice %slice3A {offsets = [768, 0], sizes = [256, 64], strides = [1, 1]} : vector<5120x64xf32> to vector<256x64xf32>
    %mul3A_50 = vector.broadcast %convert_element_type3A_48 : vector<256x1xf32> to vector<256x64xf32>
    %mul3A_51 = arith.mulf %slice3A_49, %mul3A_50 : vector<256x64xf32>
    %add3A_52 = arith.addf %add3A_43, %mul3A_51 : vector<256x64xf32>
    %gt3A_53 = arith.constant 4.000000e+00 : f32
    %gt3A_54 = vector.broadcast %gt3A_53 : f32 to vector<256x1xf32>
    %gt3A_55 = arith.cmpf ogt, %max3A_6, %gt3A_54 : vector<256x1xf32>
    %convert_element_type3A_56 = arith.extui %gt3A_55 : vector<256x1xi1> to vector<256x1xi32>
    %convert_element_type3A_57 = arith.sitofp %convert_element_type3A_56 : vector<256x1xi32> to vector<256x1xf32>
    %slice3A_58 = vector.extract_strided_slice %slice3A {offsets = [1024, 0], sizes = [256, 64], strides = [1, 1]} : vector<5120x64xf32> to vector<256x64xf32>
    %mul3A_59 = vector.broadcast %convert_element_type3A_57 : vector<256x1xf32> to vector<256x64xf32>
    %mul3A_60 = arith.mulf %slice3A_58, %mul3A_59 : vector<256x64xf32>
    %add3A_61 = arith.addf %add3A_52, %mul3A_60 : vector<256x64xf32>
    %gt3A_62 = arith.constant 5.000000e+00 : f32
    %gt3A_63 = vector.broadcast %gt3A_62 : f32 to vector<256x1xf32>
    %gt3A_64 = arith.cmpf ogt, %max3A_6, %gt3A_63 : vector<256x1xf32>
    %convert_element_type3A_65 = arith.extui %gt3A_64 : vector<256x1xi1> to vector<256x1xi32>
    %convert_element_type3A_66 = arith.sitofp %convert_element_type3A_65 : vector<256x1xi32> to vector<256x1xf32>
    %slice3A_67 = vector.extract_strided_slice %slice3A {offsets = [1280, 0], sizes = [256, 64], strides = [1, 1]} : vector<5120x64xf32> to vector<256x64xf32>
    %mul3A_68 = vector.broadcast %convert_element_type3A_66 : vector<256x1xf32> to vector<256x64xf32>
    %mul3A_69 = arith.mulf %slice3A_67, %mul3A_68 : vector<256x64xf32>
    %add3A_70 = arith.addf %add3A_61, %mul3A_69 : vector<256x64xf32>
    %gt3A_71 = arith.constant 6.000000e+00 : f32
    %gt3A_72 = vector.broadcast %gt3A_71 : f32 to vector<256x1xf32>
    %gt3A_73 = arith.cmpf ogt, %max3A_6, %gt3A_72 : vector<256x1xf32>
    %convert_element_type3A_74 = arith.extui %gt3A_73 : vector<256x1xi1> to vector<256x1xi32>
    %convert_element_type3A_75 = arith.sitofp %convert_element_type3A_74 : vector<256x1xi32> to vector<256x1xf32>
    %slice3A_76 = vector.extract_strided_slice %slice3A {offsets = [1536, 0], sizes = [256, 64], strides = [1, 1]} : vector<5120x64xf32> to vector<256x64xf32>
    %mul3A_77 = vector.broadcast %convert_element_type3A_75 : vector<256x1xf32> to vector<256x64xf32>
    %mul3A_78 = arith.mulf %slice3A_76, %mul3A_77 : vector<256x64xf32>
    %add3A_79 = arith.addf %add3A_70, %mul3A_78 : vector<256x64xf32>
    %gt3A_80 = arith.constant 7.000000e+00 : f32
    %gt3A_81 = vector.broadcast %gt3A_80 : f32 to vector<256x1xf32>
    %gt3A_82 = arith.cmpf ogt, %max3A_6, %gt3A_81 : vector<256x1xf32>
    %convert_element_type3A_83 = arith.extui %gt3A_82 : vector<256x1xi1> to vector<256x1xi32>
    %convert_element_type3A_84 = arith.sitofp %convert_element_type3A_83 : vector<256x1xi32> to vector<256x1xf32>
    %slice3A_85 = vector.extract_strided_slice %slice3A {offsets = [1792, 0], sizes = [256, 64], strides = [1, 1]} : vector<5120x64xf32> to vector<256x64xf32>
    %mul3A_86 = vector.broadcast %convert_element_type3A_84 : vector<256x1xf32> to vector<256x64xf32>
    %mul3A_87 = arith.mulf %slice3A_85, %mul3A_86 : vector<256x64xf32>
    %add3A_88 = arith.addf %add3A_79, %mul3A_87 : vector<256x64xf32>
    %gt3A_89 = arith.constant 8.000000e+00 : f32
    %gt3A_90 = vector.broadcast %gt3A_89 : f32 to vector<256x1xf32>
    %gt3A_91 = arith.cmpf ogt, %max3A_6, %gt3A_90 : vector<256x1xf32>
    %convert_element_type3A_92 = arith.extui %gt3A_91 : vector<256x1xi1> to vector<256x1xi32>
    %convert_element_type3A_93 = arith.sitofp %convert_element_type3A_92 : vector<256x1xi32> to vector<256x1xf32>
    %slice3A_94 = vector.extract_strided_slice %slice3A {offsets = [2048, 0], sizes = [256, 64], strides = [1, 1]} : vector<5120x64xf32> to vector<256x64xf32>
    %mul3A_95 = vector.broadcast %convert_element_type3A_93 : vector<256x1xf32> to vector<256x64xf32>
    %mul3A_96 = arith.mulf %slice3A_94, %mul3A_95 : vector<256x64xf32>
    %add3A_97 = arith.addf %add3A_88, %mul3A_96 : vector<256x64xf32>
    %gt3A_98 = arith.constant 9.000000e+00 : f32
    %gt3A_99 = vector.broadcast %gt3A_98 : f32 to vector<256x1xf32>
    %gt3A_100 = arith.cmpf ogt, %max3A_6, %gt3A_99 : vector<256x1xf32>
    %convert_element_type3A_101 = arith.extui %gt3A_100 : vector<256x1xi1> to vector<256x1xi32>
    %convert_element_type3A_102 = arith.sitofp %convert_element_type3A_101 : vector<256x1xi32> to vector<256x1xf32>
    %slice3A_103 = vector.extract_strided_slice %slice3A {offsets = [2304, 0], sizes = [256, 64], strides = [1, 1]} : vector<5120x64xf32> to vector<256x64xf32>
    %mul3A_104 = vector.broadcast %convert_element_type3A_102 : vector<256x1xf32> to vector<256x64xf32>
    %mul3A_105 = arith.mulf %slice3A_103, %mul3A_104 : vector<256x64xf32>
    %add3A_106 = arith.addf %add3A_97, %mul3A_105 : vector<256x64xf32>
    %gt3A_107 = arith.constant 1.000000e+01 : f32
    %gt3A_108 = vector.broadcast %gt3A_107 : f32 to vector<256x1xf32>
    %gt3A_109 = arith.cmpf ogt, %max3A_6, %gt3A_108 : vector<256x1xf32>
    %convert_element_type3A_110 = arith.extui %gt3A_109 : vector<256x1xi1> to vector<256x1xi32>
    %convert_element_type3A_111 = arith.sitofp %convert_element_type3A_110 : vector<256x1xi32> to vector<256x1xf32>
    %slice3A_112 = vector.extract_strided_slice %slice3A {offsets = [2560, 0], sizes = [256, 64], strides = [1, 1]} : vector<5120x64xf32> to vector<256x64xf32>
    %mul3A_113 = vector.broadcast %convert_element_type3A_111 : vector<256x1xf32> to vector<256x64xf32>
    %mul3A_114 = arith.mulf %slice3A_112, %mul3A_113 : vector<256x64xf32>
    %add3A_115 = arith.addf %add3A_106, %mul3A_114 : vector<256x64xf32>
    %gt3A_116 = arith.constant 1.100000e+01 : f32
    %gt3A_117 = vector.broadcast %gt3A_116 : f32 to vector<256x1xf32>
    %gt3A_118 = arith.cmpf ogt, %max3A_6, %gt3A_117 : vector<256x1xf32>
    %convert_element_type3A_119 = arith.extui %gt3A_118 : vector<256x1xi1> to vector<256x1xi32>
    %convert_element_type3A_120 = arith.sitofp %convert_element_type3A_119 : vector<256x1xi32> to vector<256x1xf32>
    %slice3A_121 = vector.extract_strided_slice %slice3A {offsets = [2816, 0], sizes = [256, 64], strides = [1, 1]} : vector<5120x64xf32> to vector<256x64xf32>
    %mul3A_122 = vector.broadcast %convert_element_type3A_120 : vector<256x1xf32> to vector<256x64xf32>
    %mul3A_123 = arith.mulf %slice3A_121, %mul3A_122 : vector<256x64xf32>
    %add3A_124 = arith.addf %add3A_115, %mul3A_123 : vector<256x64xf32>
    %gt3A_125 = arith.constant 1.200000e+01 : f32
    %gt3A_126 = vector.broadcast %gt3A_125 : f32 to vector<256x1xf32>
    %gt3A_127 = arith.cmpf ogt, %max3A_6, %gt3A_126 : vector<256x1xf32>
    %convert_element_type3A_128 = arith.extui %gt3A_127 : vector<256x1xi1> to vector<256x1xi32>
    %convert_element_type3A_129 = arith.sitofp %convert_element_type3A_128 : vector<256x1xi32> to vector<256x1xf32>
    %slice3A_130 = vector.extract_strided_slice %slice3A {offsets = [3072, 0], sizes = [256, 64], strides = [1, 1]} : vector<5120x64xf32> to vector<256x64xf32>
    %mul3A_131 = vector.broadcast %convert_element_type3A_129 : vector<256x1xf32> to vector<256x64xf32>
    %mul3A_132 = arith.mulf %slice3A_130, %mul3A_131 : vector<256x64xf32>
    %add3A_133 = arith.addf %add3A_124, %mul3A_132 : vector<256x64xf32>
    %gt3A_134 = arith.constant 1.300000e+01 : f32
    %gt3A_135 = vector.broadcast %gt3A_134 : f32 to vector<256x1xf32>
    %gt3A_136 = arith.cmpf ogt, %max3A_6, %gt3A_135 : vector<256x1xf32>
    %convert_element_type3A_137 = arith.extui %gt3A_136 : vector<256x1xi1> to vector<256x1xi32>
    %convert_element_type3A_138 = arith.sitofp %convert_element_type3A_137 : vector<256x1xi32> to vector<256x1xf32>
    %slice3A_139 = vector.extract_strided_slice %slice3A {offsets = [3328, 0], sizes = [256, 64], strides = [1, 1]} : vector<5120x64xf32> to vector<256x64xf32>
    %mul3A_140 = vector.broadcast %convert_element_type3A_138 : vector<256x1xf32> to vector<256x64xf32>
    %mul3A_141 = arith.mulf %slice3A_139, %mul3A_140 : vector<256x64xf32>
    %add3A_142 = arith.addf %add3A_133, %mul3A_141 : vector<256x64xf32>
    %gt3A_143 = arith.constant 1.400000e+01 : f32
    %gt3A_144 = vector.broadcast %gt3A_143 : f32 to vector<256x1xf32>
    %gt3A_145 = arith.cmpf ogt, %max3A_6, %gt3A_144 : vector<256x1xf32>
    %convert_element_type3A_146 = arith.extui %gt3A_145 : vector<256x1xi1> to vector<256x1xi32>
    %convert_element_type3A_147 = arith.sitofp %convert_element_type3A_146 : vector<256x1xi32> to vector<256x1xf32>
    %slice3A_148 = vector.extract_strided_slice %slice3A {offsets = [3584, 0], sizes = [256, 64], strides = [1, 1]} : vector<5120x64xf32> to vector<256x64xf32>
    %mul3A_149 = vector.broadcast %convert_element_type3A_147 : vector<256x1xf32> to vector<256x64xf32>
    %mul3A_150 = arith.mulf %slice3A_148, %mul3A_149 : vector<256x64xf32>
    %add3A_151 = arith.addf %add3A_142, %mul3A_150 : vector<256x64xf32>
    %gt3A_152 = arith.constant 1.500000e+01 : f32
    %gt3A_153 = vector.broadcast %gt3A_152 : f32 to vector<256x1xf32>
    %gt3A_154 = arith.cmpf ogt, %max3A_6, %gt3A_153 : vector<256x1xf32>
    %convert_element_type3A_155 = arith.extui %gt3A_154 : vector<256x1xi1> to vector<256x1xi32>
    %convert_element_type3A_156 = arith.sitofp %convert_element_type3A_155 : vector<256x1xi32> to vector<256x1xf32>
    %slice3A_157 = vector.extract_strided_slice %slice3A {offsets = [3840, 0], sizes = [256, 64], strides = [1, 1]} : vector<5120x64xf32> to vector<256x64xf32>
    %mul3A_158 = vector.broadcast %convert_element_type3A_156 : vector<256x1xf32> to vector<256x64xf32>
    %mul3A_159 = arith.mulf %slice3A_157, %mul3A_158 : vector<256x64xf32>
    %add3A_160 = arith.addf %add3A_151, %mul3A_159 : vector<256x64xf32>
    %gt3A_161 = arith.constant 1.600000e+01 : f32
    %gt3A_162 = vector.broadcast %gt3A_161 : f32 to vector<256x1xf32>
    %gt3A_163 = arith.cmpf ogt, %max3A_6, %gt3A_162 : vector<256x1xf32>
    %convert_element_type3A_164 = arith.extui %gt3A_163 : vector<256x1xi1> to vector<256x1xi32>
    %convert_element_type3A_165 = arith.sitofp %convert_element_type3A_164 : vector<256x1xi32> to vector<256x1xf32>
    %slice3A_166 = vector.extract_strided_slice %slice3A {offsets = [4096, 0], sizes = [256, 64], strides = [1, 1]} : vector<5120x64xf32> to vector<256x64xf32>
    %mul3A_167 = vector.broadcast %convert_element_type3A_165 : vector<256x1xf32> to vector<256x64xf32>
    %mul3A_168 = arith.mulf %slice3A_166, %mul3A_167 : vector<256x64xf32>
    %add3A_169 = arith.addf %add3A_160, %mul3A_168 : vector<256x64xf32>
    %gt3A_170 = arith.constant 1.700000e+01 : f32
    %gt3A_171 = vector.broadcast %gt3A_170 : f32 to vector<256x1xf32>
    %gt3A_172 = arith.cmpf ogt, %max3A_6, %gt3A_171 : vector<256x1xf32>
    %convert_element_type3A_173 = arith.extui %gt3A_172 : vector<256x1xi1> to vector<256x1xi32>
    %convert_element_type3A_174 = arith.sitofp %convert_element_type3A_173 : vector<256x1xi32> to vector<256x1xf32>
    %slice3A_175 = vector.extract_strided_slice %slice3A {offsets = [4352, 0], sizes = [256, 64], strides = [1, 1]} : vector<5120x64xf32> to vector<256x64xf32>
    %mul3A_176 = vector.broadcast %convert_element_type3A_174 : vector<256x1xf32> to vector<256x64xf32>
    %mul3A_177 = arith.mulf %slice3A_175, %mul3A_176 : vector<256x64xf32>
    %add3A_178 = arith.addf %add3A_169, %mul3A_177 : vector<256x64xf32>
    %gt3A_179 = arith.constant 1.800000e+01 : f32
    %gt3A_180 = vector.broadcast %gt3A_179 : f32 to vector<256x1xf32>
    %gt3A_181 = arith.cmpf ogt, %max3A_6, %gt3A_180 : vector<256x1xf32>
    %convert_element_type3A_182 = arith.extui %gt3A_181 : vector<256x1xi1> to vector<256x1xi32>
    %convert_element_type3A_183 = arith.sitofp %convert_element_type3A_182 : vector<256x1xi32> to vector<256x1xf32>
    %slice3A_184 = vector.extract_strided_slice %slice3A {offsets = [4608, 0], sizes = [256, 64], strides = [1, 1]} : vector<5120x64xf32> to vector<256x64xf32>
    %mul3A_185 = vector.broadcast %convert_element_type3A_183 : vector<256x1xf32> to vector<256x64xf32>
    %mul3A_186 = arith.mulf %slice3A_184, %mul3A_185 : vector<256x64xf32>
    %add3A_187 = arith.addf %add3A_178, %mul3A_186 : vector<256x64xf32>
    %gt3A_188 = arith.constant 1.900000e+01 : f32
    %gt3A_189 = vector.broadcast %gt3A_188 : f32 to vector<256x1xf32>
    %gt3A_190 = arith.cmpf ogt, %max3A_6, %gt3A_189 : vector<256x1xf32>
    %convert_element_type3A_191 = arith.extui %gt3A_190 : vector<256x1xi1> to vector<256x1xi32>
    %convert_element_type3A_192 = arith.sitofp %convert_element_type3A_191 : vector<256x1xi32> to vector<256x1xf32>
    %slice3A_193 = vector.extract_strided_slice %slice3A {offsets = [4864, 0], sizes = [256, 64], strides = [1, 1]} : vector<5120x64xf32> to vector<256x64xf32>
    %mul3A_194 = vector.broadcast %convert_element_type3A_192 : vector<256x1xf32> to vector<256x64xf32>
    %mul3A_195 = arith.mulf %slice3A_193, %mul3A_194 : vector<256x64xf32>
    %add3A_196 = arith.addf %add3A_187, %mul3A_195 : vector<256x64xf32>
    %div3A = vector.broadcast %max3A_6 : vector<256x1xf32> to vector<256x64xf32>
    %div3A_197 = arith.divf %add3A_196, %div3A : vector<256x64xf32>
    %slice3A_198 = vector.extract_strided_slice %get3A_13 {offsets = [0, 0], sizes = [64, 192], strides = [1, 1]} : vector<128x192xf32> to vector<64x192xf32>
    %dot_general3A = arith.constant dense<0.000000e+00> : vector<256x192xf32>
    %dot_general3A_199 = tpu.matmul %get3A_1, %slice3A_198, %dot_general3A {dimension_numbers = #tpu.dot_dimension_numbers<[1], [0], [0], [1], [0, 0, 1, 1], [], []>, transpose_lhs_hint = false} : vector<256x64xf32>, vector<64x192xf32>, vector<256x192xf32> -> vector<256x192xf32>
    %slice3A_200 = vector.extract_strided_slice %get3A_13 {offsets = [64, 0], sizes = [64, 192], strides = [1, 1]} : vector<128x192xf32> to vector<64x192xf32>
    %dot_general3A_201 = arith.constant dense<0.000000e+00> : vector<256x192xf32>
    %dot_general3A_202 = tpu.matmul %div3A_197, %slice3A_200, %dot_general3A_201 {dimension_numbers = #tpu.dot_dimension_numbers<[1], [0], [0], [1], [0, 0, 1, 1], [], []>, transpose_lhs_hint = false} : vector<256x64xf32>, vector<64x192xf32>, vector<256x192xf32> -> vector<256x192xf32>
    %add3A_203 = arith.addf %dot_general3A_199, %dot_general3A_202 : vector<256x192xf32>
    %add3A_204 = vector.broadcast %get3A_19 : vector<1x192xf32> to vector<256x192xf32>
    %add3A_205 = arith.addf %add3A_203, %add3A_204 : vector<256x192xf32>
    %dot_general3A_206 = arith.constant dense<0.000000e+00> : vector<256x192xf32>
    %dot_general3A_207 = tpu.matmul %get3A_1, %get3A_16, %dot_general3A_206 {dimension_numbers = #tpu.dot_dimension_numbers<[1], [0], [0], [1], [0, 0, 1, 1], [], []>, transpose_lhs_hint = false} : vector<256x64xf32>, vector<64x192xf32>, vector<256x192xf32> -> vector<256x192xf32>
    %slice3A_208 = vector.extract_strided_slice %add3A_205 {offsets = [0, 0], sizes = [256, 64], strides = [1, 1]} : vector<256x192xf32> to vector<256x64xf32>
    %slice3A_209 = vector.extract_strided_slice %dot_general3A_207 {offsets = [0, 0], sizes = [256, 64], strides = [1, 1]} : vector<256x192xf32> to vector<256x64xf32>
    %add3A_210 = arith.addf %slice3A_208, %slice3A_209 : vector<256x64xf32>
    %logistic3A = arith.negf %add3A_210 : vector<256x64xf32>
    %logistic3A_211 = math.exp %logistic3A : vector<256x64xf32>
    %logistic3A_212 = arith.constant 1.000000e+00 : f32
    %logistic3A_213 = vector.broadcast %logistic3A_212 : f32 to vector<256x64xf32>
    %logistic3A_214 = arith.addf %logistic3A_213, %logistic3A_211 : vector<256x64xf32>
    %logistic3A_215 = arith.divf %logistic3A_213, %logistic3A_214 : vector<256x64xf32>
    %slice3A_216 = vector.extract_strided_slice %add3A_205 {offsets = [0, 64], sizes = [256, 64], strides = [1, 1]} : vector<256x192xf32> to vector<256x64xf32>
    %slice3A_217 = vector.extract_strided_slice %dot_general3A_207 {offsets = [0, 64], sizes = [256, 64], strides = [1, 1]} : vector<256x192xf32> to vector<256x64xf32>
    %add3A_218 = arith.addf %slice3A_216, %slice3A_217 : vector<256x64xf32>
    %logistic3A_219 = arith.negf %add3A_218 : vector<256x64xf32>
    %logistic3A_220 = math.exp %logistic3A_219 : vector<256x64xf32>
    %logistic3A_221 = arith.constant 1.000000e+00 : f32
    %logistic3A_222 = vector.broadcast %logistic3A_221 : f32 to vector<256x64xf32>
    %logistic3A_223 = arith.addf %logistic3A_222, %logistic3A_220 : vector<256x64xf32>
    %logistic3A_224 = arith.divf %logistic3A_222, %logistic3A_223 : vector<256x64xf32>
    %slice3A_225 = vector.extract_strided_slice %add3A_205 {offsets = [0, 128], sizes = [256, 64], strides = [1, 1]} : vector<256x192xf32> to vector<256x64xf32>
    %slice3A_226 = vector.extract_strided_slice %dot_general3A_207 {offsets = [0, 128], sizes = [256, 64], strides = [1, 1]} : vector<256x192xf32> to vector<256x64xf32>
    %mul3A_227 = arith.mulf %logistic3A_215, %slice3A_226 : vector<256x64xf32>
    %add3A_228 = arith.addf %slice3A_225, %mul3A_227 : vector<256x64xf32>
    %tanh3A = math.tanh %add3A_228 : vector<256x64xf32>
    %sub3A = arith.constant 1.000000e+00 : f32
    %sub3A_229 = vector.broadcast %sub3A : f32 to vector<256x64xf32>
    %sub3A_230 = arith.subf %sub3A_229, %logistic3A_224 : vector<256x64xf32>
    %mul3A_231 = arith.mulf %sub3A_230, %tanh3A : vector<256x64xf32>
    %mul3A_232 = arith.mulf %logistic3A_224, %get3A_1 : vector<256x64xf32>
    %add3A_233 = arith.addf %mul3A_231, %mul3A_232 : vector<256x64xf32>
    %swap3A = arith.constant 0 : index
    %swap3A_234 = arith.constant 0 : index
    %swap3A_235 = vector.load %arg12[%swap3A, %swap3A_234] : memref<256x64xf32, #tpu.memory_space<vmem>>, vector<256x64xf32>
    tpu.vector_store %arg12[%swap3A, %swap3A_234], %add3A_233 {strides = array<i32>} : memref<256x64xf32, #tpu.memory_space<vmem>>, vector<256x64xf32>,
    %get3A_236 = arith.constant 0 : index
    %get3A_237 = arith.constant 0 : index
    %get3A_238 = vector.load %arg10[%get3A_236, %get3A_237] : memref<64x64xf32, #tpu.memory_space<vmem>>, vector<64x64xf32>
    %dot_general3A_239 = arith.constant dense<0.000000e+00> : vector<256x64xf32>
    %dot_general3A_240 = tpu.matmul %add3A_233, %get3A_238, %dot_general3A_239 {dimension_numbers = #tpu.dot_dimension_numbers<[1], [0], [0], [1], [0, 0, 1, 1], [], []>, transpose_lhs_hint = false} : vector<256x64xf32>, vector<64x64xf32>, vector<256x64xf32> -> vector<256x64xf32>
    %transpose3A = tpu.transpose %dot_general3A_240, [1, 0] : vector<256x64xf32> -> vector<64x256xf32>
    %get3A_241 = arith.constant 0 : index
    %get3A_242 = arith.constant 0 : index
    %get3A_243 = vector.load %arg6[%get3A_241, %get3A_242] : memref<1000x64xf32, #tpu.memory_space<vmem>>, vector<1000x64xf32>
    %convert_element_type3A_244 = arith.truncf %get3A_243 : vector<1000x64xf32> to vector<1000x64xbf16>
    %convert_element_type3A_245 = arith.truncf %transpose3A : vector<64x256xf32> to vector<64x256xbf16>
    %dot_general3A_246 = arith.constant dense<0.000000e+00> : vector<1000x256xf32>
    %dot_general3A_247 = tpu.matmul %convert_element_type3A_244, %convert_element_type3A_245, %dot_general3A_246 {dimension_numbers = #tpu.dot_dimension_numbers<[1], [0], [0], [1], [0, 0, 1, 1], [], []>, transpose_lhs_hint = false} : vector<1000x64xbf16>, vector<64x256xbf16>, vector<1000x256xf32> -> vector<1000x256xf32>
    %get3A_248 = arith.constant 0 : index
    %get3A_249 = arith.constant 0 : index
    %get3A_250 = vector.load %arg5[%get3A_248, %get3A_249] : memref<8x1000xf32, #tpu.memory_space<vmem>>, vector<8x1000xf32>
    %reduce_sum3A = arith.constant dense<0.000000e+00> : vector<1000xf32>
    %reduce_sum3A_251 = vector.multi_reduction <add>, %get3A_250, %reduce_sum3A [0] : vector<8x1000xf32> to vector<1000xf32>
    %broadcast_in_dim3A_252 = vector.shape_cast %reduce_sum3A_251 : vector<1000xf32> to vector<1x1000xf32>
    %reduce_sum3A_253 = vector.shape_cast %broadcast_in_dim3A_252 : vector<1x1000xf32> to vector<1x1x1000xf32>
    %reduce_sum3A_254 = arith.constant dense<0.000000e+00> : vector<1xf32>
    %reduce_sum3A_255 = vector.multi_reduction <add>, %reduce_sum3A_253, %reduce_sum3A_254 [1, 2] : vector<1x1x1000xf32> to vector<1xf32>
    %reduce_sum3A_256 = vector.shape_cast %reduce_sum3A_255 : vector<1xf32> to vector<1x1x1xf32>
    %reduce_sum3A_257 = vector.extract %reduce_sum3A_256[0, 0, 0] : f32 from vector<1x1x1xf32>
    %add3A_258 = arith.constant 9.99999993E-9 : f32
    %add3A_259 = arith.addf %reduce_sum3A_257, %add3A_258 : f32
    %div3A_260 = vector.broadcast %add3A_259 : f32 to vector<1x1000xf32>
    %div3A_261 = arith.divf %broadcast_in_dim3A_252, %div3A_260 : vector<1x1000xf32>
    %transpose3A_262 = tpu.transpose %div3A_261, [1, 0] : vector<1x1000xf32> -> vector<1000x1xf32>
    %get3A_263 = arith.constant 0 : index
    %get3A_264 = arith.constant 0 : index
    %get3A_265 = vector.load %arg3[%get3A_263, %get3A_264] : memref<256x1000xf32, #tpu.memory_space<vmem>>, vector<256x1000xf32>
    %reduce_sum3A_266 = arith.constant dense<0.000000e+00> : vector<256xf32>
    %reduce_sum3A_267 = vector.multi_reduction <add>, %get3A_265, %reduce_sum3A_266 [1] : vector<256x1000xf32> to vector<256xf32>
    %broadcast_in_dim3A_268 = vector.shape_cast %reduce_sum3A_267 : vector<256xf32> to vector<256x1xf32>
    %transpose3A_269 = tpu.transpose %broadcast_in_dim3A_268, [1, 0] : vector<256x1xf32> -> vector<1x256xf32>
    %transpose3A_270 = tpu.transpose %get3A_265, [1, 0] : vector<256x1000xf32> -> vector<1000x256xf32>
    %add3A_271 = arith.constant 9.99999993E-9 : f32
    %add3A_272 = vector.broadcast %add3A_271 : f32 to vector<1x256xf32>
    %add3A_273 = arith.addf %transpose3A_269, %add3A_272 : vector<1x256xf32>
    %div3A_274 = vector.broadcast %add3A_273 : vector<1x256xf32> to vector<1000x256xf32>
    %div3A_275 = arith.divf %transpose3A_270, %div3A_274 : vector<1000x256xf32>
    %logistic3A_276 = arith.negf %dot_general3A_247 : vector<1000x256xf32>
    %logistic3A_277 = math.exp %logistic3A_276 : vector<1000x256xf32>
    %logistic3A_278 = arith.constant 1.000000e+00 : f32
    %logistic3A_279 = vector.broadcast %logistic3A_278 : f32 to vector<1000x256xf32>
    %logistic3A_280 = arith.addf %logistic3A_279, %logistic3A_277 : vector<1000x256xf32>
    %logistic3A_281 = arith.divf %logistic3A_279, %logistic3A_280 : vector<1000x256xf32>
    %mul3A_282 = arith.constant 5.000000e-01 : f32
    %mul3A_283 = vector.broadcast %mul3A_282 : f32 to vector<1000x256xf32>
    %mul3A_284 = arith.mulf %mul3A_283, %logistic3A_281 : vector<1000x256xf32>
    %mul3A_285 = arith.constant 5.000000e-01 : f32
    %mul3A_286 = vector.broadcast %mul3A_285 : f32 to vector<1000x256xf32>
    %mul3A_287 = arith.mulf %mul3A_286, %div3A_275 : vector<1000x256xf32>
    %mul3A_288 = arith.constant 5.000000e-01 : f32
    %mul3A_289 = vector.broadcast %mul3A_288 : f32 to vector<1000x1xf32>
    %mul3A_290 = arith.mulf %mul3A_289, %transpose3A_262 : vector<1000x1xf32>
    %add3A_291 = vector.broadcast %mul3A_290 : vector<1000x1xf32> to vector<1000x256xf32>
    %add3A_292 = arith.addf %mul3A_287, %add3A_291 : vector<1000x256xf32>
    %mul3A_293 = arith.constant 5.000000e-01 : f32
    %mul3A_294 = vector.broadcast %mul3A_293 : f32 to vector<1000x256xf32>
    %mul3A_295 = arith.mulf %mul3A_294, %add3A_292 : vector<1000x256xf32>
    %add3A_296 = arith.addf %mul3A_284, %mul3A_295 : vector<1000x256xf32>
    %swap3A_297 = arith.constant 0 : index
    %swap3A_298 = arith.constant 0 : index
    %swap3A_299 = vector.load %arg11[%swap3A_297, %swap3A_298] : memref<1000x256xf32, #tpu.memory_space<vmem>>, vector<1000x256xf32>
    tpu.vector_store %arg11[%swap3A_297, %swap3A_298], %add3A_296 {strides = array<i32>} : memref<1000x256xf32, #tpu.memory_space<vmem>>, vector<1000x256xf32>,
    %convert_element_type3A_300 = arith.truncf %slice3A : vector<5120x64xf32> to vector<5120x64xbf16>
    %slice3A_301 = vector.extract_strided_slice %get3A_13 {offsets = [64, 0], sizes = [64, 192], strides = [1, 1]} : vector<128x192xf32> to vector<64x192xf32>
    %dot_general3A_302 = arith.constant dense<0.000000e+00> : vector<256x192xf32>
    %dot_general3A_303 = tpu.matmul %get3A_1, %slice3A_301, %dot_general3A_302 {dimension_numbers = #tpu.dot_dimension_numbers<[1], [0], [0], [1], [0, 0, 1, 1], [], []>, transpose_lhs_hint = false} : vector<256x64xf32>, vector<64x192xf32>, vector<256x192xf32> -> vector<256x192xf32>
    %add3A_304 = vector.broadcast %get3A_19 : vector<1x192xf32> to vector<256x192xf32>
    %add3A_305 = arith.addf %dot_general3A_303, %add3A_304 : vector<256x192xf32>
    %slice3A_306 = vector.extract_strided_slice %get3A_13 {offsets = [0, 0], sizes = [64, 192], strides = [1, 1]} : vector<128x192xf32> to vector<64x192xf32>
    %convert_element_type3A_307 = arith.truncf %slice3A_306 : vector<64x192xf32> to vector<64x192xbf16>
    %dot_general3A_308 = arith.constant dense<0.000000e+00> : vector<5120x192xf32>
    %dot_general3A_309 = tpu.matmul %convert_element_type3A_300, %convert_element_type3A_307, %dot_general3A_308 {dimension_numbers = #tpu.dot_dimension_numbers<[1], [0], [0], [1], [0, 0, 1, 1], [], []>, transpose_lhs_hint = false} : vector<5120x64xbf16>, vector<64x192xbf16>, vector<5120x192xf32> -> vector<5120x192xf32>
    %concatenate3A = tpu.concatenate %add3A_305, %add3A_305, %add3A_305, %add3A_305, %add3A_305, %add3A_305, %add3A_305, %add3A_305, %add3A_305, %add3A_305, %add3A_305, %add3A_305, %add3A_305, %add3A_305, %add3A_305, %add3A_305, %add3A_305, %add3A_305, %add3A_305, %add3A_305 in 0 : vector<256x192xf32>, vector<256x192xf32>, vector<256x192xf32>, vector<256x192xf32>, vector<256x192xf32>, vector<256x192xf32>, vector<256x192xf32>, vector<256x192xf32>, vector<256x192xf32>, vector<256x192xf32>, vector<256x192xf32>, vector<256x192xf32>, vector<256x192xf32>, vector<256x192xf32>, vector<256x192xf32>, vector<256x192xf32>, vector<256x192xf32>, vector<256x192xf32>, vector<256x192xf32>, vector<256x192xf32> -> vector<5120x192xf32>
    %add3A_310 = arith.addf %dot_general3A_309, %concatenate3A : vector<5120x192xf32>
    %convert_element_type3A_311 = arith.truncf %get3A_16 : vector<64x192xf32> to vector<64x192xbf16>
    %dot_general3A_312 = arith.constant dense<0.000000e+00> : vector<5120x192xf32>
    %dot_general3A_313 = tpu.matmul %convert_element_type3A_300, %convert_element_type3A_311, %dot_general3A_312 {dimension_numbers = #tpu.dot_dimension_numbers<[1], [0], [0], [1], [0, 0, 1, 1], [], []>, transpose_lhs_hint = false} : vector<5120x64xbf16>, vector<64x192xbf16>, vector<5120x192xf32> -> vector<5120x192xf32>
    %slice3A_314 = vector.extract_strided_slice %add3A_310 {offsets = [0, 0], sizes = [5120, 64], strides = [1, 1]} : vector<5120x192xf32> to vector<5120x64xf32>
    %slice3A_315 = vector.extract_strided_slice %dot_general3A_313 {offsets = [0, 0], sizes = [5120, 64], strides = [1, 1]} : vector<5120x192xf32> to vector<5120x64xf32>
    %add3A_316 = arith.addf %slice3A_314, %slice3A_315 : vector<5120x64xf32>
    %logistic3A_317 = arith.negf %add3A_316 : vector<5120x64xf32>
    %logistic3A_318 = math.exp %logistic3A_317 : vector<5120x64xf32>
    %logistic3A_319 = arith.constant 1.000000e+00 : f32
    %logistic3A_320 = vector.broadcast %logistic3A_319 : f32 to vector<5120x64xf32>
    %logistic3A_321 = arith.addf %logistic3A_320, %logistic3A_318 : vector<5120x64xf32>
    %logistic3A_322 = arith.divf %logistic3A_320, %logistic3A_321 : vector<5120x64xf32>
    %slice3A_323 = vector.extract_strided_slice %add3A_310 {offsets = [0, 64], sizes = [5120, 64], strides = [1, 1]} : vector<5120x192xf32> to vector<5120x64xf32>
    %slice3A_324 = vector.extract_strided_slice %dot_general3A_313 {offsets = [0, 64], sizes = [5120, 64], strides = [1, 1]} : vector<5120x192xf32> to vector<5120x64xf32>
    %add3A_325 = arith.addf %slice3A_323, %slice3A_324 : vector<5120x64xf32>
    %logistic3A_326 = arith.negf %add3A_325 : vector<5120x64xf32>
    %logistic3A_327 = math.exp %logistic3A_326 : vector<5120x64xf32>
    %logistic3A_328 = arith.constant 1.000000e+00 : f32
    %logistic3A_329 = vector.broadcast %logistic3A_328 : f32 to vector<5120x64xf32>
    %logistic3A_330 = arith.addf %logistic3A_329, %logistic3A_327 : vector<5120x64xf32>
    %logistic3A_331 = arith.divf %logistic3A_329, %logistic3A_330 : vector<5120x64xf32>
    %slice3A_332 = vector.extract_strided_slice %add3A_310 {offsets = [0, 128], sizes = [5120, 64], strides = [1, 1]} : vector<5120x192xf32> to vector<5120x64xf32>
    %slice3A_333 = vector.extract_strided_slice %dot_general3A_313 {offsets = [0, 128], sizes = [5120, 64], strides = [1, 1]} : vector<5120x192xf32> to vector<5120x64xf32>
    %mul3A_334 = arith.mulf %logistic3A_322, %slice3A_333 : vector<5120x64xf32>
    %add3A_335 = arith.addf %slice3A_332, %mul3A_334 : vector<5120x64xf32>
    %tanh3A_336 = math.tanh %add3A_335 : vector<5120x64xf32>
    %sub3A_337 = arith.constant 1.000000e+00 : f32
    %sub3A_338 = vector.broadcast %sub3A_337 : f32 to vector<5120x64xf32>
    %sub3A_339 = arith.subf %sub3A_338, %logistic3A_331 : vector<5120x64xf32>
    %mul3A_340 = arith.mulf %sub3A_339, %tanh3A_336 : vector<5120x64xf32>
    %mul3A_341 = arith.mulf %logistic3A_331, %slice3A : vector<5120x64xf32>
    %add3A_342 = arith.addf %mul3A_340, %mul3A_341 : vector<5120x64xf32>
    %concatenate3A_343 = tpu.concatenate %max3A_6, %max3A_6, %max3A_6, %max3A_6, %max3A_6, %max3A_6, %max3A_6, %max3A_6, %max3A_6, %max3A_6, %max3A_6, %max3A_6, %max3A_6, %max3A_6, %max3A_6, %max3A_6, %max3A_6, %max3A_6, %max3A_6, %max3A_6 in 0 : vector<256x1xf32>, vector<256x1xf32>, vector<256x1xf32>, vector<256x1xf32>, vector<256x1xf32>, vector<256x1xf32>, vector<256x1xf32>, vector<256x1xf32>, vector<256x1xf32>, vector<256x1xf32>, vector<256x1xf32>, vector<256x1xf32>, vector<256x1xf32>, vector<256x1xf32>, vector<256x1xf32>, vector<256x1xf32>, vector<256x1xf32>, vector<256x1xf32>, vector<256x1xf32>, vector<256x1xf32> -> vector<5120x1xf32>
    %iota3A = tpu.iota {dimensions = array<i32: 0>} : vector<5120x1xi32>
    %jit3A = arith.constant 256 : i32
    %div3A_344 = vector.broadcast %jit3A : i32 to vector<5120x1xi32>
    %div3A_345 = arith.divsi %iota3A, %div3A_344 : vector<5120x1xi32>
    %sign3A = arith.constant 0 : i32
    %sign3A_346 = vector.broadcast %sign3A : i32 to vector<5120x1xi32>
    %sign3A_347 = arith.cmpi sgt, %iota3A, %sign3A_346 : vector<5120x1xi32>
    %sign3A_348 = arith.extui %sign3A_347 : vector<5120x1xi1> to vector<5120x1xi32>
    %sign3A_349 = arith.constant 0 : i32
    %sign3A_350 = vector.broadcast %sign3A_349 : i32 to vector<5120x1xi32>
    %sign3A_351 = arith.cmpi slt, %iota3A, %sign3A_350 : vector<5120x1xi32>
    %sign3A_352 = arith.extui %sign3A_351 : vector<5120x1xi1> to vector<5120x1xi32>
    %sign3A_353 = arith.subi %sign3A_348, %sign3A_352 : vector<5120x1xi32>
    %sign3A_354 = arith.constant 0 : i32
    %sign3A_355 = arith.cmpi sgt, %jit3A, %sign3A_354 : i32
    %sign3A_356 = arith.extui %sign3A_355 : i1 to i32
    %sign3A_357 = arith.constant 0 : i32
    %sign3A_358 = arith.cmpi slt, %jit3A, %sign3A_357 : i32
    %sign3A_359 = arith.extui %sign3A_358 : i1 to i32
    %sign3A_360 = arith.subi %sign3A_356, %sign3A_359 : i32
    %ne3A = vector.broadcast %sign3A_360 : i32 to vector<5120x1xi32>
    %ne3A_361 = arith.cmpi ne, %sign3A_353, %ne3A : vector<5120x1xi32>
    %rem3A = vector.broadcast %jit3A : i32 to vector<5120x1xi32>
    %rem3A_362 = arith.remsi %iota3A, %rem3A : vector<5120x1xi32>
    %ne3A_363 = arith.constant 0 : i32
    %ne3A_364 = vector.broadcast %ne3A_363 : i32 to vector<5120x1xi32>
    %ne3A_365 = arith.cmpi ne, %rem3A_362, %ne3A_364 : vector<5120x1xi32>
    %and3A = arith.andi %ne3A_361, %ne3A_365 : vector<5120x1xi1>
    %sub3A_366 = arith.constant 1 : i32
    %sub3A_367 = vector.broadcast %sub3A_366 : i32 to vector<5120x1xi32>
    %sub3A_368 = arith.subi %div3A_345, %sub3A_367 : vector<5120x1xi32>
    %select_n3A = arith.select %and3A, %sub3A_368, %div3A_345 : vector<5120x1xi1>, vector<5120x1xi32>
    %convert_element_type3A_369 = arith.sitofp %select_n3A : vector<5120x1xi32> to vector<5120x1xf32>
    %lt3A = arith.cmpf olt, %convert_element_type3A_369, %concatenate3A_343 : vector<5120x1xf32>
    %convert_element_type3A_370 = arith.extui %lt3A : vector<5120x1xi1> to vector<5120x1xi32>
    %convert_element_type3A_371 = arith.sitofp %convert_element_type3A_370 : vector<5120x1xi32> to vector<5120x1xf32>
    %mul3A_372 = vector.broadcast %convert_element_type3A_371 : vector<5120x1xf32> to vector<5120x64xf32>
    %mul3A_373 = arith.mulf %add3A_342, %mul3A_372 : vector<5120x64xf32>
    %sub3A_374 = arith.constant 1.000000e+00 : f32
    %sub3A_375 = vector.broadcast %sub3A_374 : f32 to vector<5120x1xf32>
    %sub3A_376 = arith.subf %sub3A_375, %convert_element_type3A_371 : vector<5120x1xf32>
    %mul3A_377 = vector.broadcast %sub3A_376 : vector<5120x1xf32> to vector<5120x64xf32>
    %mul3A_378 = arith.mulf %slice3A, %mul3A_377 : vector<5120x64xf32>
    %add3A_379 = arith.addf %mul3A_373, %mul3A_378 : vector<5120x64xf32>
    %slice3A_380 = vector.extract_strided_slice %add3A_379 {offsets = [0, 0], sizes = [256, 64], strides = [1, 1]} : vector<5120x64xf32> to vector<256x64xf32>
    %transpose3A_381 = tpu.transpose %slice3A_380, [1, 0] : vector<256x64xf32> -> vector<64x256xf32>
    %swap3A_382 = arith.constant 0 : index
    %swap3A_383 = arith.constant 0 : index
    %swap3A_384 = arith.constant 0 : index
    %swap3A_385 = vector.load %arg13[%swap3A_382, %swap3A_383, %swap3A_384] : memref<20x64x256xf32, #tpu.memory_space<vmem>>, vector<1x64x256xf32>
    %swap3A_386 = vector.shape_cast %swap3A_385 : vector<1x64x256xf32> to vector<64x256xf32>
    %swap3A_387 = vector.shape_cast %transpose3A_381 : vector<64x256xf32> to vector<1x64x256xf32>
    tpu.vector_store %arg13[%swap3A_382, %swap3A_383, %swap3A_384], %swap3A_387 {strides = array<i32>} : memref<20x64x256xf32, #tpu.memory_space<vmem>>, vector<1x64x256xf32>,
    %slice3A_388 = vector.extract_strided_slice %add3A_379 {offsets = [256, 0], sizes = [256, 64], strides = [1, 1]} : vector<5120x64xf32> to vector<256x64xf32>
    %transpose3A_389 = tpu.transpose %slice3A_388, [1, 0] : vector<256x64xf32> -> vector<64x256xf32>
    %swap3A_390 = arith.constant 1 : index
    %swap3A_391 = arith.constant 0 : index
    %swap3A_392 = arith.constant 0 : index
    %swap3A_393 = vector.load %arg13[%swap3A_390, %swap3A_391, %swap3A_392] : memref<20x64x256xf32, #tpu.memory_space<vmem>>, vector<1x64x256xf32>
    %swap3A_394 = vector.shape_cast %swap3A_393 : vector<1x64x256xf32> to vector<64x256xf32>
    %swap3A_395 = vector.shape_cast %transpose3A_389 : vector<64x256xf32> to vector<1x64x256xf32>
    tpu.vector_store %arg13[%swap3A_390, %swap3A_391, %swap3A_392], %swap3A_395 {strides = array<i32>} : memref<20x64x256xf32, #tpu.memory_space<vmem>>, vector<1x64x256xf32>,
    %slice3A_396 = vector.extract_strided_slice %add3A_379 {offsets = [512, 0], sizes = [256, 64], strides = [1, 1]} : vector<5120x64xf32> to vector<256x64xf32>
    %transpose3A_397 = tpu.transpose %slice3A_396, [1, 0] : vector<256x64xf32> -> vector<64x256xf32>
    %swap3A_398 = arith.constant 2 : index
    %swap3A_399 = arith.constant 0 : index
    %swap3A_400 = arith.constant 0 : index
    %swap3A_401 = vector.load %arg13[%swap3A_398, %swap3A_399, %swap3A_400] : memref<20x64x256xf32, #tpu.memory_space<vmem>>, vector<1x64x256xf32>
    %swap3A_402 = vector.shape_cast %swap3A_401 : vector<1x64x256xf32> to vector<64x256xf32>
    %swap3A_403 = vector.shape_cast %transpose3A_397 : vector<64x256xf32> to vector<1x64x256xf32>
    tpu.vector_store %arg13[%swap3A_398, %swap3A_399, %swap3A_400], %swap3A_403 {strides = array<i32>} : memref<20x64x256xf32, #tpu.memory_space<vmem>>, vector<1x64x256xf32>,
    %slice3A_404 = vector.extract_strided_slice %add3A_379 {offsets = [768, 0], sizes = [256, 64], strides = [1, 1]} : vector<5120x64xf32> to vector<256x64xf32>
    %transpose3A_405 = tpu.transpose %slice3A_404, [1, 0] : vector<256x64xf32> -> vector<64x256xf32>
    %swap3A_406 = arith.constant 3 : index
    %swap3A_407 = arith.constant 0 : index
    %swap3A_408 = arith.constant 0 : index
    %swap3A_409 = vector.load %arg13[%swap3A_406, %swap3A_407, %swap3A_408] : memref<20x64x256xf32, #tpu.memory_space<vmem>>, vector<1x64x256xf32>
    %swap3A_410 = vector.shape_cast %swap3A_409 : vector<1x64x256xf32> to vector<64x256xf32>
    %swap3A_411 = vector.shape_cast %transpose3A_405 : vector<64x256xf32> to vector<1x64x256xf32>
    tpu.vector_store %arg13[%swap3A_406, %swap3A_407, %swap3A_408], %swap3A_411 {strides = array<i32>} : memref<20x64x256xf32, #tpu.memory_space<vmem>>, vector<1x64x256xf32>,
    %slice3A_412 = vector.extract_strided_slice %add3A_379 {offsets = [1024, 0], sizes = [256, 64], strides = [1, 1]} : vector<5120x64xf32> to vector<256x64xf32>
    %transpose3A_413 = tpu.transpose %slice3A_412, [1, 0] : vector<256x64xf32> -> vector<64x256xf32>
    %swap3A_414 = arith.constant 4 : index
    %swap3A_415 = arith.constant 0 : index
    %swap3A_416 = arith.constant 0 : index
    %swap3A_417 = vector.load %arg13[%swap3A_414, %swap3A_415, %swap3A_416] : memref<20x64x256xf32, #tpu.memory_space<vmem>>, vector<1x64x256xf32>
    %swap3A_418 = vector.shape_cast %swap3A_417 : vector<1x64x256xf32> to vector<64x256xf32>
    %swap3A_419 = vector.shape_cast %transpose3A_413 : vector<64x256xf32> to vector<1x64x256xf32>
    tpu.vector_store %arg13[%swap3A_414, %swap3A_415, %swap3A_416], %swap3A_419 {strides = array<i32>} : memref<20x64x256xf32, #tpu.memory_space<vmem>>, vector<1x64x256xf32>,
    %slice3A_420 = vector.extract_strided_slice %add3A_379 {offsets = [1280, 0], sizes = [256, 64], strides = [1, 1]} : vector<5120x64xf32> to vector<256x64xf32>
    %transpose3A_421 = tpu.transpose %slice3A_420, [1, 0] : vector<256x64xf32> -> vector<64x256xf32>
    %swap3A_422 = arith.constant 5 : index
    %swap3A_423 = arith.constant 0 : index
    %swap3A_424 = arith.constant 0 : index
    %swap3A_425 = vector.load %arg13[%swap3A_422, %swap3A_423, %swap3A_424] : memref<20x64x256xf32, #tpu.memory_space<vmem>>, vector<1x64x256xf32>
    %swap3A_426 = vector.shape_cast %swap3A_425 : vector<1x64x256xf32> to vector<64x256xf32>
    %swap3A_427 = vector.shape_cast %transpose3A_421 : vector<64x256xf32> to vector<1x64x256xf32>
    tpu.vector_store %arg13[%swap3A_422, %swap3A_423, %swap3A_424], %swap3A_427 {strides = array<i32>} : memref<20x64x256xf32, #tpu.memory_space<vmem>>, vector<1x64x256xf32>,
    %slice3A_428 = vector.extract_strided_slice %add3A_379 {offsets = [1536, 0], sizes = [256, 64], strides = [1, 1]} : vector<5120x64xf32> to vector<256x64xf32>
    %transpose3A_429 = tpu.transpose %slice3A_428, [1, 0] : vector<256x64xf32> -> vector<64x256xf32>
    %swap3A_430 = arith.constant 6 : index
    %swap3A_431 = arith.constant 0 : index
    %swap3A_432 = arith.constant 0 : index
    %swap3A_433 = vector.load %arg13[%swap3A_430, %swap3A_431, %swap3A_432] : memref<20x64x256xf32, #tpu.memory_space<vmem>>, vector<1x64x256xf32>
    %swap3A_434 = vector.shape_cast %swap3A_433 : vector<1x64x256xf32> to vector<64x256xf32>
    %swap3A_435 = vector.shape_cast %transpose3A_429 : vector<64x256xf32> to vector<1x64x256xf32>
    tpu.vector_store %arg13[%swap3A_430, %swap3A_431, %swap3A_432], %swap3A_435 {strides = array<i32>} : memref<20x64x256xf32, #tpu.memory_space<vmem>>, vector<1x64x256xf32>,
    %slice3A_436 = vector.extract_strided_slice %add3A_379 {offsets = [1792, 0], sizes = [256, 64], strides = [1, 1]} : vector<5120x64xf32> to vector<256x64xf32>
    %transpose3A_437 = tpu.transpose %slice3A_436, [1, 0] : vector<256x64xf32> -> vector<64x256xf32>
    %swap3A_438 = arith.constant 7 : index
    %swap3A_439 = arith.constant 0 : index
    %swap3A_440 = arith.constant 0 : index
    %swap3A_441 = vector.load %arg13[%swap3A_438, %swap3A_439, %swap3A_440] : memref<20x64x256xf32, #tpu.memory_space<vmem>>, vector<1x64x256xf32>
    %swap3A_442 = vector.shape_cast %swap3A_441 : vector<1x64x256xf32> to vector<64x256xf32>
    %swap3A_443 = vector.shape_cast %transpose3A_437 : vector<64x256xf32> to vector<1x64x256xf32>
    tpu.vector_store %arg13[%swap3A_438, %swap3A_439, %swap3A_440], %swap3A_443 {strides = array<i32>} : memref<20x64x256xf32, #tpu.memory_space<vmem>>, vector<1x64x256xf32>,
    %slice3A_444 = vector.extract_strided_slice %add3A_379 {offsets = [2048, 0], sizes = [256, 64], strides = [1, 1]} : vector<5120x64xf32> to vector<256x64xf32>
    %transpose3A_445 = tpu.transpose %slice3A_444, [1, 0] : vector<256x64xf32> -> vector<64x256xf32>
    %swap3A_446 = arith.constant 8 : index
    %swap3A_447 = arith.constant 0 : index
    %swap3A_448 = arith.constant 0 : index
    %swap3A_449 = vector.load %arg13[%swap3A_446, %swap3A_447, %swap3A_448] : memref<20x64x256xf32, #tpu.memory_space<vmem>>, vector<1x64x256xf32>
    %swap3A_450 = vector.shape_cast %swap3A_449 : vector<1x64x256xf32> to vector<64x256xf32>
    %swap3A_451 = vector.shape_cast %transpose3A_445 : vector<64x256xf32> to vector<1x64x256xf32>
    tpu.vector_store %arg13[%swap3A_446, %swap3A_447, %swap3A_448], %swap3A_451 {strides = array<i32>} : memref<20x64x256xf32, #tpu.memory_space<vmem>>, vector<1x64x256xf32>,
    %slice3A_452 = vector.extract_strided_slice %add3A_379 {offsets = [2304, 0], sizes = [256, 64], strides = [1, 1]} : vector<5120x64xf32> to vector<256x64xf32>
    %transpose3A_453 = tpu.transpose %slice3A_452, [1, 0] : vector<256x64xf32> -> vector<64x256xf32>
    %swap3A_454 = arith.constant 9 : index
    %swap3A_455 = arith.constant 0 : index
    %swap3A_456 = arith.constant 0 : index
    %swap3A_457 = vector.load %arg13[%swap3A_454, %swap3A_455, %swap3A_456] : memref<20x64x256xf32, #tpu.memory_space<vmem>>, vector<1x64x256xf32>
    %swap3A_458 = vector.shape_cast %swap3A_457 : vector<1x64x256xf32> to vector<64x256xf32>
    %swap3A_459 = vector.shape_cast %transpose3A_453 : vector<64x256xf32> to vector<1x64x256xf32>
    tpu.vector_store %arg13[%swap3A_454, %swap3A_455, %swap3A_456], %swap3A_459 {strides = array<i32>} : memref<20x64x256xf32, #tpu.memory_space<vmem>>, vector<1x64x256xf32>,
    %slice3A_460 = vector.extract_strided_slice %add3A_379 {offsets = [2560, 0], sizes = [256, 64], strides = [1, 1]} : vector<5120x64xf32> to vector<256x64xf32>
    %transpose3A_461 = tpu.transpose %slice3A_460, [1, 0] : vector<256x64xf32> -> vector<64x256xf32>
    %swap3A_462 = arith.constant 10 : index
    %swap3A_463 = arith.constant 0 : index
    %swap3A_464 = arith.constant 0 : index
    %swap3A_465 = vector.load %arg13[%swap3A_462, %swap3A_463, %swap3A_464] : memref<20x64x256xf32, #tpu.memory_space<vmem>>, vector<1x64x256xf32>
    %swap3A_466 = vector.shape_cast %swap3A_465 : vector<1x64x256xf32> to vector<64x256xf32>
    %swap3A_467 = vector.shape_cast %transpose3A_461 : vector<64x256xf32> to vector<1x64x256xf32>
    tpu.vector_store %arg13[%swap3A_462, %swap3A_463, %swap3A_464], %swap3A_467 {strides = array<i32>} : memref<20x64x256xf32, #tpu.memory_space<vmem>>, vector<1x64x256xf32>,
    %slice3A_468 = vector.extract_strided_slice %add3A_379 {offsets = [2816, 0], sizes = [256, 64], strides = [1, 1]} : vector<5120x64xf32> to vector<256x64xf32>
    %transpose3A_469 = tpu.transpose %slice3A_468, [1, 0] : vector<256x64xf32> -> vector<64x256xf32>
    %swap3A_470 = arith.constant 11 : index
    %swap3A_471 = arith.constant 0 : index
    %swap3A_472 = arith.constant 0 : index
    %swap3A_473 = vector.load %arg13[%swap3A_470, %swap3A_471, %swap3A_472] : memref<20x64x256xf32, #tpu.memory_space<vmem>>, vector<1x64x256xf32>
    %swap3A_474 = vector.shape_cast %swap3A_473 : vector<1x64x256xf32> to vector<64x256xf32>
    %swap3A_475 = vector.shape_cast %transpose3A_469 : vector<64x256xf32> to vector<1x64x256xf32>
    tpu.vector_store %arg13[%swap3A_470, %swap3A_471, %swap3A_472], %swap3A_475 {strides = array<i32>} : memref<20x64x256xf32, #tpu.memory_space<vmem>>, vector<1x64x256xf32>,
    %slice3A_476 = vector.extract_strided_slice %add3A_379 {offsets = [3072, 0], sizes = [256, 64], strides = [1, 1]} : vector<5120x64xf32> to vector<256x64xf32>
    %transpose3A_477 = tpu.transpose %slice3A_476, [1, 0] : vector<256x64xf32> -> vector<64x256xf32>
    %swap3A_478 = arith.constant 12 : index
    %swap3A_479 = arith.constant 0 : index
    %swap3A_480 = arith.constant 0 : index
    %swap3A_481 = vector.load %arg13[%swap3A_478, %swap3A_479, %swap3A_480] : memref<20x64x256xf32, #tpu.memory_space<vmem>>, vector<1x64x256xf32>
    %swap3A_482 = vector.shape_cast %swap3A_481 : vector<1x64x256xf32> to vector<64x256xf32>
    %swap3A_483 = vector.shape_cast %transpose3A_477 : vector<64x256xf32> to vector<1x64x256xf32>
    tpu.vector_store %arg13[%swap3A_478, %swap3A_479, %swap3A_480], %swap3A_483 {strides = array<i32>} : memref<20x64x256xf32, #tpu.memory_space<vmem>>, vector<1x64x256xf32>,
    %slice3A_484 = vector.extract_strided_slice %add3A_379 {offsets = [3328, 0], sizes = [256, 64], strides = [1, 1]} : vector<5120x64xf32> to vector<256x64xf32>
    %transpose3A_485 = tpu.transpose %slice3A_484, [1, 0] : vector<256x64xf32> -> vector<64x256xf32>
    %swap3A_486 = arith.constant 13 : index
    %swap3A_487 = arith.constant 0 : index
    %swap3A_488 = arith.constant 0 : index
    %swap3A_489 = vector.load %arg13[%swap3A_486, %swap3A_487, %swap3A_488] : memref<20x64x256xf32, #tpu.memory_space<vmem>>, vector<1x64x256xf32>
    %swap3A_490 = vector.shape_cast %swap3A_489 : vector<1x64x256xf32> to vector<64x256xf32>
    %swap3A_491 = vector.shape_cast %transpose3A_485 : vector<64x256xf32> to vector<1x64x256xf32>
    tpu.vector_store %arg13[%swap3A_486, %swap3A_487, %swap3A_488], %swap3A_491 {strides = array<i32>} : memref<20x64x256xf32, #tpu.memory_space<vmem>>, vector<1x64x256xf32>,
    %slice3A_492 = vector.extract_strided_slice %add3A_379 {offsets = [3584, 0], sizes = [256, 64], strides = [1, 1]} : vector<5120x64xf32> to vector<256x64xf32>
    %transpose3A_493 = tpu.transpose %slice3A_492, [1, 0] : vector<256x64xf32> -> vector<64x256xf32>
    %swap3A_494 = arith.constant 14 : index
    %swap3A_495 = arith.constant 0 : index
    %swap3A_496 = arith.constant 0 : index
    %swap3A_497 = vector.load %arg13[%swap3A_494, %swap3A_495, %swap3A_496] : memref<20x64x256xf32, #tpu.memory_space<vmem>>, vector<1x64x256xf32>
    %swap3A_498 = vector.shape_cast %swap3A_497 : vector<1x64x256xf32> to vector<64x256xf32>
    %swap3A_499 = vector.shape_cast %transpose3A_493 : vector<64x256xf32> to vector<1x64x256xf32>
    tpu.vector_store %arg13[%swap3A_494, %swap3A_495, %swap3A_496], %swap3A_499 {strides = array<i32>} : memref<20x64x256xf32, #tpu.memory_space<vmem>>, vector<1x64x256xf32>,
    %slice3A_500 = vector.extract_strided_slice %add3A_379 {offsets = [3840, 0], sizes = [256, 64], strides = [1, 1]} : vector<5120x64xf32> to vector<256x64xf32>
    %transpose3A_501 = tpu.transpose %slice3A_500, [1, 0] : vector<256x64xf32> -> vector<64x256xf32>
    %swap3A_502 = arith.constant 15 : index
    %swap3A_503 = arith.constant 0 : index
    %swap3A_504 = arith.constant 0 : index
    %swap3A_505 = vector.load %arg13[%swap3A_502, %swap3A_503, %swap3A_504] : memref<20x64x256xf32, #tpu.memory_space<vmem>>, vector<1x64x256xf32>
    %swap3A_506 = vector.shape_cast %swap3A_505 : vector<1x64x256xf32> to vector<64x256xf32>
    %swap3A_507 = vector.shape_cast %transpose3A_501 : vector<64x256xf32> to vector<1x64x256xf32>
    tpu.vector_store %arg13[%swap3A_502, %swap3A_503, %swap3A_504], %swap3A_507 {strides = array<i32>} : memref<20x64x256xf32, #tpu.memory_space<vmem>>, vector<1x64x256xf32>,
    %slice3A_508 = vector.extract_strided_slice %add3A_379 {offsets = [4096, 0], sizes = [256, 64], strides = [1, 1]} : vector<5120x64xf32> to vector<256x64xf32>
    %transpose3A_509 = tpu.transpose %slice3A_508, [1, 0] : vector<256x64xf32> -> vector<64x256xf32>
    %swap3A_510 = arith.constant 16 : index
    %swap3A_511 = arith.constant 0 : index
    %swap3A_512 = arith.constant 0 : index
    %swap3A_513 = vector.load %arg13[%swap3A_510, %swap3A_511, %swap3A_512] : memref<20x64x256xf32, #tpu.memory_space<vmem>>, vector<1x64x256xf32>
    %swap3A_514 = vector.shape_cast %swap3A_513 : vector<1x64x256xf32> to vector<64x256xf32>
    %swap3A_515 = vector.shape_cast %transpose3A_509 : vector<64x256xf32> to vector<1x64x256xf32>
    tpu.vector_store %arg13[%swap3A_510, %swap3A_511, %swap3A_512], %swap3A_515 {strides = array<i32>} : memref<20x64x256xf32, #tpu.memory_space<vmem>>, vector<1x64x256xf32>,
    %slice3A_516 = vector.extract_strided_slice %add3A_379 {offsets = [4352, 0], sizes = [256, 64], strides = [1, 1]} : vector<5120x64xf32> to vector<256x64xf32>
    %transpose3A_517 = tpu.transpose %slice3A_516, [1, 0] : vector<256x64xf32> -> vector<64x256xf32>
    %swap3A_518 = arith.constant 17 : index
    %swap3A_519 = arith.constant 0 : index
    %swap3A_520 = arith.constant 0 : index
    %swap3A_521 = vector.load %arg13[%swap3A_518, %swap3A_519, %swap3A_520] : memref<20x64x256xf32, #tpu.memory_space<vmem>>, vector<1x64x256xf32>
    %swap3A_522 = vector.shape_cast %swap3A_521 : vector<1x64x256xf32> to vector<64x256xf32>
    %swap3A_523 = vector.shape_cast %transpose3A_517 : vector<64x256xf32> to vector<1x64x256xf32>
    tpu.vector_store %arg13[%swap3A_518, %swap3A_519, %swap3A_520], %swap3A_523 {strides = array<i32>} : memref<20x64x256xf32, #tpu.memory_space<vmem>>, vector<1x64x256xf32>,
    %slice3A_524 = vector.extract_strided_slice %add3A_379 {offsets = [4608, 0], sizes = [256, 64], strides = [1, 1]} : vector<5120x64xf32> to vector<256x64xf32>
    %transpose3A_525 = tpu.transpose %slice3A_524, [1, 0] : vector<256x64xf32> -> vector<64x256xf32>
    %swap3A_526 = arith.constant 18 : index
    %swap3A_527 = arith.constant 0 : index
    %swap3A_528 = arith.constant 0 : index
    %swap3A_529 = vector.load %arg13[%swap3A_526, %swap3A_527, %swap3A_528] : memref<20x64x256xf32, #tpu.memory_space<vmem>>, vector<1x64x256xf32>
    %swap3A_530 = vector.shape_cast %swap3A_529 : vector<1x64x256xf32> to vector<64x256xf32>
    %swap3A_531 = vector.shape_cast %transpose3A_525 : vector<64x256xf32> to vector<1x64x256xf32>
    tpu.vector_store %arg13[%swap3A_526, %swap3A_527, %swap3A_528], %swap3A_531 {strides = array<i32>} : memref<20x64x256xf32, #tpu.memory_space<vmem>>, vector<1x64x256xf32>,
    %slice3A_532 = vector.extract_strided_slice %add3A_379 {offsets = [4864, 0], sizes = [256, 64], strides = [1, 1]} : vector<5120x64xf32> to vector<256x64xf32>
    %transpose3A_533 = tpu.transpose %slice3A_532, [1, 0] : vector<256x64xf32> -> vector<64x256xf32>
    %swap3A_534 = arith.constant 19 : index
    %swap3A_535 = arith.constant 0 : index
    %swap3A_536 = arith.constant 0 : index
    %swap3A_537 = vector.load %arg13[%swap3A_534, %swap3A_535, %swap3A_536] : memref<20x64x256xf32, #tpu.memory_space<vmem>>, vector<1x64x256xf32>
    %swap3A_538 = vector.shape_cast %swap3A_537 : vector<1x64x256xf32> to vector<64x256xf32>
    %swap3A_539 = vector.shape_cast %transpose3A_533 : vector<64x256xf32> to vector<1x64x256xf32>
    tpu.vector_store %arg13[%swap3A_534, %swap3A_535, %swap3A_536], %swap3A_539 {strides = array<i32>} : memref<20x64x256xf32, #tpu.memory_space<vmem>>, vector<1x64x256xf32>,
    return
  }
  func.func @transform_0(%arg0: i32) -> (i32, i32) {
    %c0_i32 = arith.constant 0 : i32
    %c0_i32_0 = arith.constant 0 : i32
    return %arg0, %c0_i32 : i32, i32
  }
  func.func @transform_1(%arg0: i32) -> (i32, i32, i32) {
    %c0_i32 = arith.constant 0 : i32
    %c0_i32_0 = arith.constant 0 : i32
    %c0_i32_1 = arith.constant 0 : i32
    return %c0_i32, %arg0, %c0_i32_0 : i32, i32, i32
  }
  func.func @transform_2(%arg0: i32) -> (i32, i32) {
    %c0_i32 = arith.constant 0 : i32
    %c0_i32_0 = arith.constant 0 : i32
    return %arg0, %c0_i32 : i32, i32
  }
  func.func @transform_3(%arg0: i32) -> (i32, i32) {
    %c0_i32 = arith.constant 0 : i32
    %c0_i32_0 = arith.constant 0 : i32
    return %arg0, %c0_i32 : i32, i32
  }
  func.func @transform_4(%arg0: i32) -> (i32, i32) {
    %c0_i32 = arith.constant 0 : i32
    %c0_i32_0 = arith.constant 0 : i32
    %c0_i32_1 = arith.constant 0 : i32
    return %c0_i32, %c0_i32_0 : i32, i32
  }
  func.func @transform_5(%arg0: i32) -> (i32, i32) {
    %c0_i32 = arith.constant 0 : i32
    %c0_i32_0 = arith.constant 0 : i32
    %c0_i32_1 = arith.constant 0 : i32
    return %c0_i32, %c0_i32_0 : i32, i32
  }
  func.func @transform_6(%arg0: i32) -> (i32, i32) {
    %c0_i32 = arith.constant 0 : i32
    %c0_i32_0 = arith.constant 0 : i32
    %c0_i32_1 = arith.constant 0 : i32
    return %c0_i32, %c0_i32_0 : i32, i32
  }
  func.func @transform_7(%arg0: i32) -> (i32, i32) {
    %c0_i32 = arith.constant 0 : i32
    %c0_i32_0 = arith.constant 0 : i32
    %c0_i32_1 = arith.constant 0 : i32
    return %c0_i32, %c0_i32_0 : i32, i32
  }
  func.func @transform_8(%arg0: i32) -> (i32, i32) {
    %c0_i32 = arith.constant 0 : i32
    %c0_i32_0 = arith.constant 0 : i32
    %c0_i32_1 = arith.constant 0 : i32
    return %c0_i32, %c0_i32_0 : i32, i32
  }
  func.func @transform_9(%arg0: i32) -> (i32, i32) {
    %c0_i32 = arith.constant 0 : i32
    %c0_i32_0 = arith.constant 0 : i32
    %c0_i32_1 = arith.constant 0 : i32
    return %c0_i32, %c0_i32_0 : i32, i32
  }
  func.func @transform_10(%arg0: i32) -> (i32, i32) {
    %c0_i32 = arith.constant 0 : i32
    %c0_i32_0 = arith.constant 0 : i32
    return %c0_i32, %arg0 : i32, i32
  }
  func.func @transform_11(%arg0: i32) -> (i32, i32) {
    %c0_i32 = arith.constant 0 : i32
    %c0_i32_0 = arith.constant 0 : i32
    return %arg0, %c0_i32 : i32, i32
  }
  func.func @transform_12(%arg0: i32) -> (i32, i32, i32) {
    %c0_i32 = arith.constant 0 : i32
    %c0_i32_0 = arith.constant 0 : i32
    %c0_i32_1 = arith.constant 0 : i32
    return %c0_i32, %c0_i32_0, %arg0 : i32, i32, i32
  }
}

</mosaic_0001>

<sc_bundles>
// kernel: kernel.5.cloned.1.call-start
scs
__scs_entry_jumppad:
0x0: {  	(pc) =	sbr.rel $0x88, $3  }
0x1: {  	(tag) =	ssettag $0x0;
	lr =	simm.s32 $0x1  }
0x2: {  	[smem:$0x3F97] =	sst lr;
	_ =	strace $0xD0000000  }
0x3: {  	_ = 	snop  }
0x4: {  	_ = 	snop  }
0x5: {  	_ = 	snop  }
0x6: {  	_ = 	snop  }
0x7: {  	_ = 	snop  }
__scs_overlays_trampoline_lowered:
0x8: {  	[smem:$0x3FA6] =	sst s0  }
0x9: {  	[smem:$0x3FA7] =	sst s1  }
0xa: {  	[smem:$0x3FA8] =	sst s2  }
0xb: {  	[smem:$0x3FA9] =	sst s3  }
0xc: {  	[smem:$0x3FAA] =	sst s4  }
0xd: {  	[smem:$0x3FAB] =	sst s5  }
0xe: {  	[smem:$0x3FAC] =	sst s6  }
0xf: {  	[smem:$0x3FAD] =	sst s7  }
0x10: {  	[smem:$0x3FAE] =	sst s8  }
0x11: {  	[smem:$0x3FAF] =	sst s9;
	s0 =	simm.s32 @!p0 $0x0  }
0x12: {  	s1 =	sld [smem:$0x3F95];
	s0 =	simm.s32 @p0 $0x1  }
0x13: {  	[smem:$0x3FB0] =	sst s0;
	s0 =	simm.s32 @!p1 $0x0  }
0x14: {  	s2 =	sld [smem:$0x3F94];
	s0 =	simm.s32 @p1 $0x1  }
0x15: {  	[smem:$0x3FB1] =	sst s0;
	s0 =	simm.s32 @!p2 $0x0  }
0x16: {  	s3 =	sld [smem:$0x3FDB];
	s0 =	simm.s32 @p2 $0x1  }
0x17: {  	s4 =	simm.s32 $0x1BF5;
	[smem:$0x3FB3] =	sst s0  }
0x18: {  	s0 =	sld [smem:$0x3F96];
	_ =	swait.ge [sflag:s4], $0x0  }
0x19: {  	s7 =	sld [smem:$0x3F97]  }
0x1a: {  	s8 =	sadd.s32 $0xFFFFE003, lr  }
0x1b: {  	s9 =	sadd.s32 $0xFFFFFEF7, lr;
	s5 =	simm.s32 $0xFFFFFFFF;
	p2 =	slt.u32 s8, $0xFFFFF086  }
0x1c: {  	p1 =	slt.u32 s9, $0xF7A;
	s5 =	simm.s32 @!p2 $0x0  }
0x1d: {  	s5 =	simm.s32 @p1 $0x1;
	p0 =	seq.s32 s7, s2  }
0x1e: {  	s7 =	smul.u32 @!p0 $0xF7A, s2;
	p2 =	seq.s32 @!p0 s5, $0x0  }
0x1f: {  	s9 =	smul.u32 $0xF7A, s1;
	s8 =	simm.s32 @!p0 $0x1BF5;
	p2 =	por !p2, p0  }
0x20: {  	[sflag:s8] =	ssyncset.s32 @!p0 $0xFFFFF086;
	s6 =	sadd.s32 @!p0 s3, s7;
	s7 =	simm.s32 @!p0 $0x108  }
0x21: {  	s3 =	sadd.s32 s3, s9;
	s6 =	sadd.s32 @!p0 $0x88, s6;
	s7 =	simm.s32 @p2 $0x1082  }
0x22: {  	[simem:s7], [sflag:s8] =	dma.local @!p0 [hbm:s6], $0xF7A  }
0x23: {  	s9 =	sor.u32 $0xD0000000, s2;
	s6 =	simm.s32 $0x108;
	_ =	swait.ge @!p0 [sflag:s8], $0x0  }
0x24: {  	s3 =	sadd.s32 $0x88, s3;
	s6 =	simm.s32 @!p1 $0x1082;
	[sflag:s4] =	ssyncset.s32 $0xFFFFF086  }
0x25: {  	[simem:s6], [sflag:s4] =	dma.local [hbm:s3], $0xF7A  }
0x26: {  	[smem:$0x3F97] =	sst s1;
	(tag) =	ssettag s2;
	_ =	strace s9  }
0x27: {  	s1 =	sld [smem:$0x3FA7]  }
0x28: {  	s2 =	sld [smem:$0x3FA8]  }
0x29: {  	s4 =	sld [smem:$0x3FAA]  }
0x2a: {  	p0 =	seq.s32 s5, $0x0;
	s5 =	sld [smem:$0x3FAB]  }
0x2b: {  	s6 =	sld [smem:$0x3FAC]  }
0x2c: {  	s7 =	sld [smem:$0x3FAD]  }
0x2d: {  	s3 =	simm.s32 $0x108;
	s8 =	sld [smem:$0x3FAE]  }
0x2e: {  	s3 =	simm.s32 @!p0 $0x1082;
	s9 =	sld [smem:$0x3FAF]  }
0x2f: {  	lr =	sadd.s32 s0, s3;
	s0 =	sld [smem:$0x3FA6]  }
0x30: {  	s3 =	sld [smem:$0x3FA9]  }
0x31: {  	[smem:$0x3FB2] =	sst s10  }
0x32: {  	s10 =	sld [smem:$0x3FB0];
	_ =	sdelay $0x3  }
0x33: {  	p0 =	seq.s32 s10, $0x1;
	s10 =	sld [smem:$0x3FB2];
	_ =	sdelay $0x3  }
0x34: {  	[smem:$0x3FB2] =	sst s10  }
0x35: {  	s10 =	sld [smem:$0x3FB1];
	_ =	sdelay $0x3  }
0x36: {  	p1 =	seq.s32 s10, $0x1;
	s10 =	sld [smem:$0x3FB2];
	_ =	sdelay $0x3  }
0x37: {  	[smem:$0x3FB2] =	sst s10  }
0x38: {  	s10 =	sld [smem:$0x3FB3]  }
0x39: {  	_ = 	snop;
	(pc) =	sbr.ind lr, $3  }
0x3a: {  	_ = 	snop  }
0x3b: {  	_ = 	snop  }
0x3c: {  	p2 =	seq.s32 s10, $0x1;
	s10 =	sld [smem:$0x3FB2]  }
0x3d: {  	_ =	shalt  }
0x3e: {  	_ =	shalt  }
0x3f: {  	_ =	shalt  }
0x40: {  	_ =	shalt  }
0x41: {  	_ =	shalt  }
0x42: {  	_ =	shalt  }
0x43: {  	_ =	shalt  }
0x44: {  	_ =	shalt  }
0x45: {  	_ =	shalt  }
0x46: {  	_ =	shalt  }
0x47: {  	_ =	shalt  }
0x48: {  	_ =	shalt  }
0x49: {  	_ =	shalt  }
0x4a: {  	_ =	shalt  }
0x4b: {  	_ =	shalt  }
0x4c: {  	_ =	shalt  }
0x4d: {  	_ =	shalt  }
0x4e: {  	_ =	shalt  }
0x4f: {  	_ =	shalt  }
0x50: {  	_ =	shalt  }
0x51: {  	_ =	shalt  }
0x52: {  	_ =	shalt  }
0x53: {  	_ =	shalt  }
0x54: {  	_ =	shalt  }
0x55: {  	_ =	shalt  }
0x56: {  	_ =	shalt  }
0x57: {  	_ =	shalt  }
0x58: {  	_ =	shalt  }
0x59: {  	_ =	shalt  }
0x5a: {  	_ =	shalt  }
0x5b: {  	_ =	shalt  }
0x5c: {  	_ =	shalt  }
0x5d: {  	_ =	shalt  }
0x5e: {  	_ =	shalt  }
0x5f: {  	_ =	shalt  }
0x60: {  	_ =	shalt  }
0x61: {  	_ =	shalt  }
0x62: {  	_ =	shalt  }
0x63: {  	_ =	shalt  }
0x64: {  	_ =	shalt  }
0x65: {  	_ =	shalt  }
0x66: {  	_ =	shalt  }
0x67: {  	_ =	shalt  }
0x68: {  	_ =	shalt  }
0x69: {  	_ =	shalt  }
0x6a: {  	_ =	shalt  }
0x6b: {  	_ =	shalt  }
0x6c: {  	_ =	shalt  }
0x6d: {  	_ =	shalt  }
0x6e: {  	_ =	shalt  }
0x6f: {  	_ =	shalt  }
0x70: {  	_ =	shalt  }
0x71: {  	_ =	shalt  }
0x72: {  	_ =	shalt  }
0x73: {  	_ =	shalt  }
0x74: {  	_ =	shalt  }
0x75: {  	_ =	shalt  }
0x76: {  	_ =	shalt  }
0x77: {  	_ =	shalt  }
0x78: {  	_ =	shalt  }
0x79: {  	_ =	shalt  }
0x7a: {  	_ =	shalt  }
0x7b: {  	_ =	shalt  }
0x7c: {  	_ =	shalt  }
0x7d: {  	_ =	shalt  }
0x7e: {  	_ =	shalt  }
0x7f: {  	_ =	shalt  }
0x80: {  	_ =	shalt  }
0x81: {  	_ =	shalt  }
0x82: {  	_ =	shalt  }
0x83: {  	_ =	shalt  }
0x84: {  	_ =	shalt  }
0x85: {  	_ =	shalt  }
0x86: {  	_ =	shalt  }
0x87: {  	_ =	shalt  }
.Lfunc_end0:
.L_simem_size_0:
called_computation_lowered:
.L_overlay_start_0:
0x88: {  	s2 =	sld [smem:$0x3FD9]  }
0x89: {  	s3 =	sld [smem:$0x3FFE];
	_ =	sdelay $0x1  }
0x8a: {  	s1 =	srdreg.scid  }
0x8b: {  	s0 =	sand.u32 $0x1, s1  }
0x8c: {  	s14 =	sshll.u32 s0, $0xA;
	s2 =	sadd.s32 s3, s2  }
0x8d: {  	s2 =	sadd.s32 s2, s14  }
0x8e: {  	[smem:$0x3FBE] =	sst s2  }
0x8f: {  	_ = 	snop  }
0x90: {  	s2 =	sld [smem:$0x3FD0];
	_ =	sdelay $0x2  }
0x91: {  	s15 =	simm.s32 $0xA;
	s4 =	simm.s32 $0x10  }
0x92: {  	[smem:s4], [sflag:s15] =	dma.local [hbm:s2], $0x1  }
0x93: {  	_ =	swait.eq [sflag:s15], $0x1  }
0x94: {  	[sflag:s15] =	ssyncset.done $0x0  }
0x95: {  	[sflag:s15] =	ssyncadd.s32 $0xFFFFFFFF  }
0x96: {  	s16 =	sld [smem:$0x11];
	(tm) =	ssettm $0x1  }
0x97: {  	s17 =	sld [smem:$0x3FFB];
	_ =	sdelay $0x3  }
0x98: {  	_ =	strace s17  }
0x99: {  	s3 =	sld [smem:$0x3FFC];
	_ =	sdelay $0x3  }
0x9a: {  	_ =	strace s3  }
0x9b: {  	s3 =	sld [smem:$0x3FFD];
	_ =	sdelay $0x3  }
0x9c: {  	_ =	strace s3  }
0x9d: {  	_ =	strace $0x8FFFFFFF  }
0x9e: {  	s18 =	sld [smem:$0x3FDB];
	_ =	sdelay $0x1  }
0x9f: {  	s19 =	simm.s32 $_scs_section_size  }
0xa0: {  	s5 =	simm.s32 $_size__tile_overlayer_lowered;
	s6 =	simm.s32 $_tile_overlayer_lowered  }
0xa1: {  	s22 =	simm.s32 $0x1BFF;
	s21 =	sshll.u32 s6, $0x1;
	s3 =	sadd.s32 s19, s18  }
0xa2: {  	s7 =	simm.s32 $0x0;
	s20 =	sshll.u32 s5, $0x1;
	s5 =	sadd.s32 s21, s3  }
0xa3: {  	[timem:s7], [sflag:s22] =	dma.local [hbm:s5], s20  }
0xa4: {  	_ =	swait.ge [sflag:s22], s20  }
0xa5: {  	s4 =	ssub.s32 $0x0, s20;
	[sflag:s22] =	ssyncset.done $0x0  }
0xa6: {  	[sflag:s22] =	ssyncadd.s32 s4;
	_ =	sdelay $0x1  }
0xa7: {  	s23 =	simm.s32 $0x1B8B  }
0xa8: {  	_ =	swait.ge [sflag:s23], $0x1  }
0xa9: {  	[sflag:s23] =	ssyncset.done $0x0  }
0xaa: {  	s25 =	simm.s32 $0x1B8E;
	s24 =	sld [smem:$0x3FFE];
	[sflag:s23] =	ssyncadd.s32 $0xFFFFFFFF  }
0xab: {  	s26 =	simm.s32 $execute0_lowered;
	[smem:$0x3FD2] =	sst s25  }
0xac: {  	s5 =	sshll.u32 s26, $0x1;
	_ =	strace $0x80000046;
	[dreg:$0x1] =	wrdreg $0xFFFFFFFF  }
0xad: {  	s28 =	simm.s32 $_size_execute0_lowered;
	s3 =	sadd.s32 s3, s5;
	[dreg:$0x0] =	wrdreg $0x0  }
0xae: {  	s5 =	sshll.u32 s28, $0x1;
	[dreg:$0x2] =	wrdreg s3  }
0xaf: {  	[dreg:$0x3] =	wrdreg s5  }
0xb0: {  	[dreg:$0x4] =	wrdreg $0xC0  }
0xb1: {  	_ =	task [dreg:s7], $0x5FFFF  }
0xb2: {  	[dreg:$0x1] =	wrdreg $0xFFFFFFFF  }
0xb3: {  	[dreg:$0x0] =	wrdreg $0x60  }
0xb4: {  	[dreg:$0x2] =	wrdreg s16  }
0xb5: {  	[dreg:$0x3] =	wrdreg s24  }
0xb6: {  	[dreg:$0x4] =	wrdreg $0x9  }
0xb7: {  	_ =	task.clear_ibuf [dreg:s7], $0x5FFFF;
	_ =	strace $0x90000046  }
0xb8: {  	s29 =	simm.s32 $0x9;
	_ =	strace $0x80000048  }
0xb9: {  	_ =	swait.ge [sflag:s29], $0x1  }
0xba: {  	[sflag:s29] =	ssyncadd.s32 $0xFFFFFFFF  }
0xbb: {  	_ =	strace $0x90000048  }
0xbc: {  	_ =	sfence  }
0xbd: {  	s30 =	sld [smem:$0x0];
	_ =	sdelay $0x2  }
0xbe: {  	s31 =	sshll.u32 s1, $0xD;
	s1 =	sshrl.u32 s1, $0x2  }
0xbf: {  	s3 =	sand.u32 $0x4000, s31;
	s1 =	sadd.s32 s1, s30  }
0xc0: {  	s0 =	sor.u32 s3, s0;
	s1 =	sshll.u32 s1, $0x11  }
0xc1: {  	s0 =	sor.u32 s1, s0  }
0xc2: {  	s0 =	sadd.s32 $0x8F2B, s0  }
0xc3: {  	[sflag:s0] =	ssyncadd.remote.s32 $0x1  }
0xc4: {  	_ =	sfence.sel $0xFFFF  }
0xc5: {  	[dreg:$0x0] =	wrdreg $0xFFFFFFFF;
	(pc) =	sbr.abs _section_cstart, $3  }
0xc6: {  	[dreg:$0x1] =	wrdreg $0xFFFFFFFF  }
0xc7: {  	_ =	task.clear_ibuf [dreg:s7], $0x2FFFF;
	_ =	strace $0x9FFFFFFF  }
0xc8: {  	(tm) =	ssettm $0x7FFFFFFF  }
0xc9: {  	_ =	shalt  }
tec
execute0_lowered:
.L_overlay_start_1:
0x0: {  	(tag) =	ssettag $0x1  }
0x1: {  	s1 =	srdreg.scid;
	s0 =	stileid.u32  }
0x2: {  	s15 =	sand.u32 $0x1, s1;
	s31 =	sshll.u32 s0, $0x1  }
0x3: {  	s2 =	rddreg [dreg:$0x0];
	s10 =	sor.u32 s15, s31  }
0x4: {  	s9 =	rddreg [dreg:$0x1];
	s4 =	smul.u32 $0x140, s10  }
0x5: {  	s3 =	simm.s32 $0x0;
	s1 =	rddreg [dreg:$0x2]  }
0x6: {  	[smem:$0x7FF] =	sst s3;
	s4 =	sadd.s32 s4, s9  }
0x7: {  	_ =	strace $0x80000047;
	s5 =	sadd.s32 $0x1000, s4;
	s4 =	simm.s32 $0x2  }
0x8: {  	[tilespmem:s3], [sflag:$0x2] =	stream.linear.gather [hbm4b:s5+s3], $0xA00, $0x38;
	[tilespmem:$0x10A00] =	vst v63  }
0x9: {  	_ =	swait.ge [sflag:s4], $0xA00  }
0xa: {  	s6 =	simm.s32 $0x200;
	[sflag:s4] =	ssyncset.done $0x0  }
0xb: {  	s7 =	simm.s32 $0xA00;
	s8 =	simm.s32 $0x1;
	[sflag:s4] =	ssyncadd.s32 $0xFFFFF600  }
0xc: {  	[tilespmem:s7], [sflag:$0x1] =	stream.indirect.gather [hbm4b:s2+s6], $0x80, s3, s6, $0xb8;
	[tilespmem:$0x10A00] =	vst v63  }
0xd: {  	s11 =	smul.u32 $0xA000, s10;
	_ =	swait.ge [sflag:s8], $0x10000  }
0xe: {  	s12 =	sadd.s32 $0x7800, s9;
	[sflag:s8] =	ssyncset.done $0x0  }
0xf: {  	s9 =	sadd.s32 s12, s11;
	[sflag:s8] =	ssyncadd.s32 $0xFFFF0000  }
0x10: {  	[hbm4b:s9+s3] =	stream.linear.scatter [tilespmem:s7], [sflag:$0x2], $0x10000, $0x38;
	[tilespmem:$0x10A00] =	vst v63  }
0x11: {  	_ =	swait.ge [sflag:s4], $0x10000  }
0x12: {  	[sflag:s4] =	ssyncset.done $0x0  }
0x13: {  	s10 =	smul.u32 $0x50000, s10;
	[sflag:s4] =	ssyncadd.s32 $0xFFFF0000  }
0x14: {  	[tilespmem:s7], [sflag:$0x1] =	stream.indirect.gather [hbm4b:s2+s6], $0x80, s6, s6, $0xb8;
	[tilespmem:$0x10A00] =	vst v63  }
0x15: {  	s10 =	sshrl.u32 s10, $0x3;
	_ =	swait.ge [sflag:s8], $0x10000  }
0x16: {  	s16 =	sadd.s32 s12, s10;
	[sflag:s8] =	ssyncset.done $0x0  }
0x17: {  	s10 =	sadd.s32 $0x2000, s16;
	[sflag:s8] =	ssyncadd.s32 $0xFFFF0000  }
0x18: {  	[hbm4b:s10+s3] =	stream.linear.scatter [tilespmem:s7], [sflag:$0x2], $0x10000, $0x38;
	[tilespmem:$0x10A00] =	vst v63  }
0x19: {  	_ =	swait.ge [sflag:s4], $0x10000  }
0x1a: {  	[sflag:s4] =	ssyncset.done $0x0  }
0x1b: {  	s11 =	simm.s32 $0x400;
	[sflag:s4] =	ssyncadd.s32 $0xFFFF0000  }
0x1c: {  	[tilespmem:s7], [sflag:$0x1] =	stream.indirect.gather [hbm4b:s2+s6], $0x80, s11, s6, $0xb8;
	[tilespmem:$0x10A00] =	vst v63  }
0x1d: {  	_ =	swait.ge [sflag:s8], $0x10000  }
0x1e: {  	[sflag:s8] =	ssyncset.done $0x0  }
0x1f: {  	s12 =	sadd.s32 $0x4000, s16;
	[sflag:s8] =	ssyncadd.s32 $0xFFFF0000  }
0x20: {  	[hbm4b:s12+s3] =	stream.linear.scatter [tilespmem:s7], [sflag:$0x2], $0x10000, $0x38;
	[tilespmem:$0x10A00] =	vst v63  }
0x21: {  	_ =	swait.ge [sflag:s4], $0x10000  }
0x22: {  	[sflag:s4] =	ssyncset.done $0x0  }
0x23: {  	s13 =	simm.s32 $0x600;
	[sflag:s4] =	ssyncadd.s32 $0xFFFF0000  }
0x24: {  	[tilespmem:s7], [sflag:$0x1] =	stream.indirect.gather [hbm4b:s2+s6], $0x80, s13, s6, $0xb8;
	[tilespmem:$0x10A00] =	vst v63  }
0x25: {  	_ =	swait.ge [sflag:s8], $0x10000  }
0x26: {  	[sflag:s8] =	ssyncset.done $0x0  }
0x27: {  	s17 =	ssub.s32 $0x2, s15;
	s14 =	sadd.s32 $0x6000, s16;
	[sflag:s8] =	ssyncadd.s32 $0xFFFF0000  }
0x28: {  	[hbm4b:s14+s3] =	stream.linear.scatter [tilespmem:s7], [sflag:$0x2], $0x10000, $0x38;
	[tilespmem:$0x10A00] =	vst v63  }
0x29: {  	s18 =	sshrl.u32 s17, $0x1;
	_ =	swait.ge [sflag:s4], $0x10000  }
0x2a: {  	s17 =	ssub.s32 s17, s18;
	[sflag:s4] =	ssyncset.done $0x0  }
0x2b: {  	s15 =	simm.s32 $0x800;
	s17 =	smax.u32 s17, $0x1;
	[sflag:s4] =	ssyncadd.s32 $0xFFFF0000  }
0x2c: {  	[tilespmem:s7], [sflag:$0x1] =	stream.indirect.gather [hbm4b:s2+s6], $0x80, s15, s6, $0xb8;
	[tilespmem:$0x10A00] =	vst v63  }
0x2d: {  	p0 =	sne.s32 s17, $0x1;
	_ =	swait.ge [sflag:s8], $0x10000  }
.Ltmp0:
0x2e: {  	[sflag:s8] =	ssyncset.done $0x0;
	(pc) =	sbr.rel @!p0 .LBB2_2-.Ltmp0, $4  }
0x2f: {  	s16 =	sadd.s32 $0x8000, s16;
	[sflag:s8] =	ssyncadd.s32 $0xFFFF0000  }
0x30: {  	[hbm4b:s16+s3] =	stream.linear.scatter [tilespmem:s7], [sflag:$0x2], $0x10000, $0x38;
	[tilespmem:$0x10A00] =	vst v63  }
0x31: {  	_ =	swait.ge [sflag:s4], $0x10000  }
0x32: {  	s17 =	sadd.s32 $0xFFFFFFFF, s17;
	[sflag:s4] =	ssyncset.done $0x0  }
.LBB2_1:
0x33: {  	p0 =	sne.s32 s17, $0x1;
	s17 =	sadd.s32 $0xFFFFFFFF, s17;
	[sflag:s4] =	ssyncadd.s32 $0xFFFF0000  }
0x34: {  	[tilespmem:s3], [sflag:$0x2] =	stream.linear.gather [hbm4b:s5+s3], $0xA00, $0x38;
	[tilespmem:$0x10A00] =	vst v63  }
0x35: {  	_ =	swait.ge [sflag:s4], $0xA00  }
0x36: {  	[sflag:s4] =	ssyncset.done $0x0  }
0x37: {  	[sflag:s4] =	ssyncadd.s32 $0xFFFFF600  }
0x38: {  	[tilespmem:s7], [sflag:$0x1] =	stream.indirect.gather [hbm4b:s2+s6], $0x80, s3, s6, $0xb8;
	[tilespmem:$0x10A00] =	vst v63  }
0x39: {  	_ =	swait.ge [sflag:s8], $0x10000  }
0x3a: {  	[sflag:s8] =	ssyncset.done $0x0  }
0x3b: {  	[sflag:s8] =	ssyncadd.s32 $0xFFFF0000  }
0x3c: {  	[hbm4b:s9+s3] =	stream.linear.scatter [tilespmem:s7], [sflag:$0x2], $0x10000, $0x38;
	[tilespmem:$0x10A00] =	vst v63  }
0x3d: {  	_ =	swait.ge [sflag:s4], $0x10000  }
0x3e: {  	[sflag:s4] =	ssyncset.done $0x0  }
0x3f: {  	[sflag:s4] =	ssyncadd.s32 $0xFFFF0000  }
0x40: {  	[tilespmem:s7], [sflag:$0x1] =	stream.indirect.gather [hbm4b:s2+s6], $0x80, s6, s6, $0xb8;
	[tilespmem:$0x10A00] =	vst v63  }
0x41: {  	_ =	swait.ge [sflag:s8], $0x10000  }
0x42: {  	[sflag:s8] =	ssyncset.done $0x0  }
0x43: {  	[sflag:s8] =	ssyncadd.s32 $0xFFFF0000  }
0x44: {  	[hbm4b:s10+s3] =	stream.linear.scatter [tilespmem:s7], [sflag:$0x2], $0x10000, $0x38;
	[tilespmem:$0x10A00] =	vst v63  }
0x45: {  	_ =	swait.ge [sflag:s4], $0x10000  }
0x46: {  	[sflag:s4] =	ssyncset.done $0x0  }
0x47: {  	[sflag:s4] =	ssyncadd.s32 $0xFFFF0000  }
0x48: {  	[tilespmem:s7], [sflag:$0x1] =	stream.indirect.gather [hbm4b:s2+s6], $0x80, s11, s6, $0xb8;
	[tilespmem:$0x10A00] =	vst v63  }
0x49: {  	_ =	swait.ge [sflag:s8], $0x10000  }
0x4a: {  	[sflag:s8] =	ssyncset.done $0x0  }
0x4b: {  	[sflag:s8] =	ssyncadd.s32 $0xFFFF0000  }
0x4c: {  	[hbm4b:s12+s3] =	stream.linear.scatter [tilespmem:s7], [sflag:$0x2], $0x10000, $0x38;
	[tilespmem:$0x10A00] =	vst v63  }
0x4d: {  	_ =	swait.ge [sflag:s4], $0x10000  }
0x4e: {  	[sflag:s4] =	ssyncset.done $0x0  }
0x4f: {  	[sflag:s4] =	ssyncadd.s32 $0xFFFF0000  }
0x50: {  	[tilespmem:s7], [sflag:$0x1] =	stream.indirect.gather [hbm4b:s2+s6], $0x80, s13, s6, $0xb8;
	[tilespmem:$0x10A00] =	vst v63  }
0x51: {  	_ =	swait.ge [sflag:s8], $0x10000  }
0x52: {  	[sflag:s8] =	ssyncset.done $0x0  }
0x53: {  	[sflag:s8] =	ssyncadd.s32 $0xFFFF0000  }
0x54: {  	[hbm4b:s14+s3] =	stream.linear.scatter [tilespmem:s7], [sflag:$0x2], $0x10000, $0x38;
	[tilespmem:$0x10A00] =	vst v63  }
0x55: {  	_ =	swait.ge [sflag:s4], $0x10000  }
0x56: {  	[sflag:s4] =	ssyncset.done $0x0  }
0x57: {  	[sflag:s4] =	ssyncadd.s32 $0xFFFF0000  }
0x58: {  	[tilespmem:s7], [sflag:$0x1] =	stream.indirect.gather [hbm4b:s2+s6], $0x80, s15, s6, $0xb8;
	[tilespmem:$0x10A00] =	vst v63  }
0x59: {  	_ =	swait.ge [sflag:s8], $0x10000  }
.Ltmp1:
0x5a: {  	[sflag:s8] =	ssyncset.done $0x0;
	(pc) =	sbr.rel @p0 .LBB2_1-.Ltmp1, $4  }
0x5b: {  	[sflag:s8] =	ssyncadd.s32 $0xFFFF0000  }
0x5c: {  	[hbm4b:s16+s3] =	stream.linear.scatter [tilespmem:s7], [sflag:$0x2], $0x10000, $0x38;
	[tilespmem:$0x10A00] =	vst v63  }
0x5d: {  	_ =	swait.ge [sflag:s4], $0x10000  }
0x5e: {  	[sflag:s4] =	ssyncset.done $0x0  }
.LBB2_2:
0x5f: {  	[sflag:s4] =	ssyncadd.s32 $0xFFFF0000  }
0x60: {  	_ =	sfence.sel $0x180000  }
0x61: {  	[bflag:$0x0] =	sbarrier.arrive $0xFFFF  }
0x62: {  	p0 =	sne.s32 s0, $0x0;
	_ =	strace $0x90000047  }
0x63: {  	s0 =	sadd.s32 @!p0 $0x100000, s1;
	[bflag:$0x2] =	sbarrier.arrive $0xFFFF  }
0x64: {  	[sflag:s0] =	ssyncadd.tile.s32 @!p0 $0x1;
	_ =	shalt  }
.Lfunc_end2:
_tile_overlayer_lowered:
.L_overlay_start_2:
0x65: {  	(tag) =	ssettag $0x2  }
0x66: {  	s0 =	rddreg [dreg:$0x0];
	s2 =	stileid.u32  }
0x67: {  	s1 =	rddreg [dreg:$0x1];
	p0 =	sne.s32 s2, $0x0  }
0x68: {  	s3 =	rddreg [dreg:$0x2];
	[bflag:$0x3] =	sbarrier.arrive $0xFFFF;
	s2 =	simm.s32 @!p0 $0x1C02  }
0x69: {  	[timem:s3], [sflag:s2] =	dma.local @!p0 [hbm:s0], s1  }
0x6a: {  	s0 =	simm.s32 @!p0 $0x2  }
0x6b: {  	_ =	swait.ge @!p0 [sflag:s0], s1  }
0x6c: {  	s1 =	ssub.s32 @!p0 $0x0, s1;
	[sflag:s0] =	ssyncset.done @!p0 $0x0  }
0x6d: {  	[sflag:s0] =	ssyncadd.s32 @!p0 s1  }
0x6e: {  	[bflag:$0x3] =	sbarrier.arrive $0xFFFF  }
0x6f: {  	_ =	shalt  }

</sc_bundles>
